<compile_context>
chip_gen: v7x
topology: tpu7x:2x2x1
jax: 0.10.2.dev20260603
libtpu: 0.0.44.dev20260713+nightly
codegen_flags: <defaults>
</compile_context>

<pallas_src>
import jax
import jax.numpy as jnp
from jax import lax
from jax.experimental import pallas as pl
from jax.experimental.pallas import tpu as pltpu
from jax.experimental.pallas import tpu_sc as plsc

N_NODES = 10000
F_IN = 128
F_HALF = 64
HID = 256
C_OUT = 41

NROW = 10240
EC = 128
NCH = 2528
CPT1 = NCH // 16
CPT2 = NCH // 32
ROWS_PT = NROW // 16
DUMMY_ROW = 10016
W2P = 48

_SC_MESH = plsc.VectorSubcoreMesh(core_axis_name="c", subcore_axis_name="s",
                                  num_cores=2, num_subcores=16)


def _zero_buf(buf, width):
  zero16 = jnp.zeros((16,), jnp.float32)

  def zb(r, carry):
    for l in range(width // 16):
      buf[r, pl.ds(l * 16, 16)] = zero16
    return carry

  lax.fori_loop(0, EC, zb, 0)


def _fill_ones(buf, width):
  one16 = jnp.ones((16,), jnp.float32)

  def ob(r, carry):
    for l in range(width // 16):
      buf[r, pl.ds(l * 16, 16)] = one16
    return carry

  lax.fori_loop(0, EC, ob, 0)


def _edge_pipeline(n, x_hbm, idx_s, idx_d, buf0, buf1, spm_s, sem0, sem1,
                   cbuf=None, spm_c=None, cnt_parity=0):

  def gat(j):
    return x_hbm.at[idx_s.at[j]]

  def scat(j, buf, parity):
    pltpu.sync_copy(buf, spm_s.at[idx_d.at[j]], add=True)
    if cbuf is not None and parity == cnt_parity:
      pltpu.sync_copy(cbuf, spm_c.at[idx_d.at[j]], add=True)

  pltpu.async_copy(gat(0), buf0, sem0)

  def step(t, carry):
    j0 = 2 * t
    pltpu.async_copy(gat(j0 + 1), buf1, sem1)
    pltpu.make_async_copy(gat(j0), buf0, sem0).wait()
    scat(j0, buf0, 0)
    pltpu.async_copy(gat(j0 + 2), buf0, sem0)
    pltpu.make_async_copy(gat(j0 + 1), buf1, sem1).wait()
    scat(j0 + 1, buf1, 1)
    return carry

  lax.fori_loop(0, (n - 1) // 2, step, 0)
  if n % 2 == 0:
    pltpu.async_copy(gat(n - 1), buf1, sem1)
    pltpu.make_async_copy(gat(n - 2), buf0, sem0).wait()
    scat(n - 2, buf0, 0)
    pltpu.make_async_copy(gat(n - 1), buf1, sem1).wait()
    scat(n - 1, buf1, 1)
  else:
    pltpu.make_async_copy(gat(n - 1), buf0, sem0).wait()
    scat(n - 1, buf0, 0)


def _seg1_body(xa_hbm, xb_hbm, src_hbm, dst_hbm, sums_out, cnt_out,
               idx_s, idx_d, buf0, buf1, cbuf, spm_s, spm_c, sem0, sem1):
  c = lax.axis_index("c")
  s = lax.axis_index("s")

  _zero_buf(buf0, F_HALF)
  _zero_buf(cbuf, 16)
  for k in range(ROWS_PT // EC):
    pltpu.sync_copy(buf0, spm_s.at[pl.ds(s * ROWS_PT + k * EC, EC)])
    pltpu.sync_copy(cbuf, spm_c.at[pl.ds(s * ROWS_PT + k * EC, EC)])
  _fill_ones(cbuf, 16)

  pltpu.sync_copy(src_hbm.at[s], idx_s)
  pltpu.sync_copy(dst_hbm.at[s], idx_d)
  plsc.subcore_barrier()

  @pl.when(c == 0)
  def _():
    _edge_pipeline(CPT1, xa_hbm, idx_s, idx_d, buf0, buf1, spm_s,
                   sem0, sem1, cbuf=cbuf, spm_c=spm_c, cnt_parity=0)

  @pl.when(c == 1)
  def _():
    _edge_pipeline(CPT1, xb_hbm, idx_s, idx_d, buf0, buf1, spm_s,
                   sem0, sem1, cbuf=cbuf, spm_c=spm_c, cnt_parity=1)

  plsc.subcore_barrier()
  pltpu.sync_copy(spm_s.at[pl.ds(s * ROWS_PT, ROWS_PT)],
                  sums_out.at[c, pl.ds(s * ROWS_PT, ROWS_PT)])
  pltpu.sync_copy(spm_c.at[pl.ds(s * ROWS_PT, ROWS_PT)],
                  cnt_out.at[c, pl.ds(s * ROWS_PT, ROWS_PT)])


def _make_seg1():
  return pl.kernel(
      _seg1_body,
      out_type=[
          jax.ShapeDtypeStruct((2, NROW, F_HALF), jnp.float32),
          jax.ShapeDtypeStruct((2, NROW, 16), jnp.float32),
      ],
      mesh=_SC_MESH,
      compiler_params=pltpu.CompilerParams(use_tc_tiling_on_sc=False),
      scratch_types=[
          pltpu.VMEM((CPT1, EC), jnp.int32),
          pltpu.VMEM((CPT1, EC), jnp.int32),
          pltpu.VMEM((EC, F_HALF), jnp.float32),
          pltpu.VMEM((EC, F_HALF), jnp.float32),
          pltpu.VMEM((EC, 16), jnp.float32),
          pltpu.VMEM_SHARED((NROW, F_HALF), jnp.float32),
          pltpu.VMEM_SHARED((NROW, 16), jnp.float32),
          pltpu.SemaphoreType.DMA,
          pltpu.SemaphoreType.DMA,
      ],
  )


def _seg2_body(p_hbm, src_hbm, dst_hbm, sums_out,
               idx_s, idx_d, buf0, buf1, spm_s, sem0, sem1):
  c = lax.axis_index("c")
  s = lax.axis_index("s")
  wid = s * 2 + c

  _zero_buf(buf0, W2P)
  for k in range(ROWS_PT // EC):
    pltpu.sync_copy(buf0, spm_s.at[pl.ds(s * ROWS_PT + k * EC, EC)])

  pltpu.sync_copy(src_hbm.at[wid], idx_s)
  pltpu.sync_copy(dst_hbm.at[wid], idx_d)
  plsc.subcore_barrier()

  _edge_pipeline(CPT2, p_hbm, idx_s, idx_d, buf0, buf1, spm_s, sem0, sem1)

  plsc.subcore_barrier()
  pltpu.sync_copy(spm_s.at[pl.ds(s * ROWS_PT, ROWS_PT)],
                  sums_out.at[c, pl.ds(s * ROWS_PT, ROWS_PT)])


def _make_seg2():
  return pl.kernel(
      _seg2_body,
      out_type=jax.ShapeDtypeStruct((2, NROW, W2P), jnp.float32),
      mesh=_SC_MESH,
      compiler_params=pltpu.CompilerParams(use_tc_tiling_on_sc=False),
      scratch_types=[
          pltpu.VMEM((CPT2, EC), jnp.int32),
          pltpu.VMEM((CPT2, EC), jnp.int32),
          pltpu.VMEM((EC, W2P), jnp.float32),
          pltpu.VMEM((EC, W2P), jnp.float32),
          pltpu.VMEM_SHARED((NROW, W2P), jnp.float32),
          pltpu.SemaphoreType.DMA,
          pltpu.SemaphoreType.DMA,
      ],
  )


_BLK = 1024


def _densea_body(x_ref, w1r_ref, b1_ref, xr_ref):
  xr_ref[...] = x_ref[...] @ w1r_ref[...] + b1_ref[...]


def _dense1_body(sp_ref, cp_ref, xr_ref, w1l_ref, w2l_ref, p_ref, h_ref):
  ssum = jnp.concatenate([sp_ref[0], sp_ref[1]], axis=1)
  cnt = cp_ref[0, :, 0:1] + cp_ref[1, :, 0:1]
  agg = ssum / jnp.maximum(cnt, 1.0)
  h = jnp.maximum(agg @ w1l_ref[...] + xr_ref[...], 0.0)
  h_ref[...] = h
  p_ref[...] = h @ w2l_ref[...]


def _densec_body(h_ref, w2r_ref, b2_ref, r2_ref):
  r2_ref[...] = h_ref[...] @ w2r_ref[...] + b2_ref[...]


def _dense2_body(s2_ref, cp_ref, r2_ref, out_ref):
  ssum = s2_ref[0] + s2_ref[1]
  cnt = cp_ref[0, :, 0:1] + cp_ref[1, :, 0:1]
  out_ref[...] = ssum / jnp.maximum(cnt, 1.0) + r2_ref[...]


@jax.jit
def kernel(x, edge_index, W1_l, b1, W1_r, W2_l, b2, W2_r):
  src = edge_index[0].astype(jnp.int32)
  dst = edge_index[1].astype(jnp.int32)
  e = src.shape[0]
  pad = NCH * EC - e
  src_flat = jnp.concatenate([src, jnp.zeros((pad,), jnp.int32)])
  dst_flat = jnp.concatenate([dst, jnp.full((pad,), DUMMY_ROW, jnp.int32)])
  src1 = src_flat.reshape(16, CPT1, EC)
  dst1 = dst_flat.reshape(16, CPT1, EC)
  src2 = src_flat.reshape(32, CPT2, EC)
  dst2 = dst_flat.reshape(32, CPT2, EC)

  xa = x[:, :F_HALF]
  xb = x[:, F_HALF:]
  sums1, cnt = _make_seg1()(xa, xb, src1, dst1)

  x_pad = jnp.pad(x, ((0, NROW - N_NODES), (0, 0)))
  w2l_pad = jnp.pad(W2_l, ((0, 0), (0, W2P - C_OUT)))
  w2r_pad = jnp.pad(W2_r, ((0, 0), (0, W2P - C_OUT)))
  b2_pad = jnp.pad(b2, (0, W2P - C_OUT)).reshape(1, W2P)
  b1_2d = b1.reshape(1, HID)

  grid = NROW // _BLK
  xr = pl.pallas_call(
      _densea_body,
      grid=(grid,),
      in_specs=[
          pl.BlockSpec((_BLK, F_IN), lambda i: (i, 0)),
          pl.BlockSpec((F_IN, HID), lambda i: (0, 0)),
          pl.BlockSpec((1, HID), lambda i: (0, 0)),
      ],
      out_specs=pl.BlockSpec((_BLK, HID), lambda i: (i, 0)),
      out_shape=jax.ShapeDtypeStruct((NROW, HID), jnp.float32),
  )(x_pad, W1_r, b1_2d)

  p_rows, h_rows = pl.pallas_call(
      _dense1_body,
      grid=(grid,),
      in_specs=[
          pl.BlockSpec((2, _BLK, F_HALF), lambda i: (0, i, 0)),
          pl.BlockSpec((2, _BLK, 16), lambda i: (0, i, 0)),
          pl.BlockSpec((_BLK, HID), lambda i: (i, 0)),
          pl.BlockSpec((F_IN, HID), lambda i: (0, 0)),
          pl.BlockSpec((HID, W2P), lambda i: (0, 0)),
      ],
      out_specs=[
          pl.BlockSpec((_BLK, W2P), lambda i: (i, 0)),
          pl.BlockSpec((_BLK, HID), lambda i: (i, 0)),
      ],
      out_shape=[
          jax.ShapeDtypeStruct((NROW, W2P), jnp.float32),
          jax.ShapeDtypeStruct((NROW, HID), jnp.float32),
      ],
  )(sums1, cnt, xr, W1_l, w2l_pad)

  sums2 = _make_seg2()(p_rows, src2, dst2)

  r2 = pl.pallas_call(
      _densec_body,
      grid=(grid,),
      in_specs=[
          pl.BlockSpec((_BLK, HID), lambda i: (i, 0)),
          pl.BlockSpec((HID, W2P), lambda i: (0, 0)),
          pl.BlockSpec((1, W2P), lambda i: (0, 0)),
      ],
      out_specs=pl.BlockSpec((_BLK, W2P), lambda i: (i, 0)),
      out_shape=jax.ShapeDtypeStruct((NROW, W2P), jnp.float32),
  )(h_rows, w2r_pad, b2_pad)

  out_pad = pl.pallas_call(
      _dense2_body,
      grid=(grid,),
      in_specs=[
          pl.BlockSpec((2, _BLK, W2P), lambda i: (0, i, 0)),
          pl.BlockSpec((2, _BLK, 16), lambda i: (0, i, 0)),
          pl.BlockSpec((_BLK, W2P), lambda i: (i, 0)),
      ],
      out_specs=pl.BlockSpec((_BLK, W2P), lambda i: (i, 0)),
      out_shape=jax.ShapeDtypeStruct((NROW, W2P), jnp.float32),
  )(sums2, cnt, r2)

  return out_pad[:N_NODES, :C_OUT]

# --- scband reference (transcript-rebuilt; emitter-appended) ---
"""Pipeline reference for scband-gnn-14087492731050 (READ-ONLY COPY).

The authoritative reference and input builder live on the scoring server;
editing this copy changes nothing except your own understanding.
"""

import jax, jax.numpy as jnp
import numpy as np

N = 10000
E = 320000
F_IN = 128
H = 256
C = 41


def setup_inputs(seed: int = 0) -> dict:
    key = jax.random.key(seed)
    ks = jax.random.split(key, 9)
    x = jax.random.normal(ks[0], (N, F_IN), dtype=jnp.float32)
    edge_index = jax.random.randint(ks[1], (2, E), 0, N, dtype=jnp.int64)
    s1 = 1.0 / np.sqrt(F_IN)
    s2 = 1.0 / np.sqrt(H)
    W1_l = jax.random.uniform(ks[2], (F_IN, H), jnp.float32, -s1, s1)
    b1 = jax.random.uniform(ks[3], (H,), jnp.float32, -s1, s1)
    W1_r = jax.random.uniform(ks[4], (F_IN, H), jnp.float32, -s1, s1)
    W2_l = jax.random.uniform(ks[5], (H, C), jnp.float32, -s2, s2)
    b2 = jax.random.uniform(ks[6], (C,), jnp.float32, -s2, s2)
    W2_r = jax.random.uniform(ks[7], (H, C), jnp.float32, -s2, s2)
    return {"x": x, "edge_index": edge_index, "W1_l": W1_l, "b1": b1,
            "W1_r": W1_r, "W2_l": W2_l, "b2": b2, "W2_r": W2_r}


def _sage_conv(x, edge_index, W_l, b_l, W_r):
    # PyG SAGEConv (aggr='mean'): out = lin_l(mean_j x_j) + lin_r(x_i)
    src = edge_index[0]
    dst = edge_index[1]
    msg = jnp.take(x, src, axis=0)                          # gather (SparseCore)
    agg = jax.ops.segment_sum(msg, dst, num_segments=x.shape[0])  # scatter-add
    cnt = jax.ops.segment_sum(jnp.ones((msg.shape[0],), x.dtype), dst,
                              num_segments=x.shape[0])
    agg = agg / jnp.maximum(cnt, 1.0)[:, None]
    return agg @ W_l + b_l + x @ W_r


def reference(x, edge_index, W1_l, b1, W1_r, W2_l, b2, W2_r):
    h = jax.nn.relu(_sage_conv(x, edge_index, W1_l, b1, W1_r))
    # dropout p=0.5 is identity in eval mode
    out = _sage_conv(h, edge_index, W2_l, b2, W2_r)
    return out

if __name__ == "__main__":
    import jax
    _d = setup_inputs()
    print(jax.jit(kernel)(*tuple(_d.values())))

</pallas_src>

<mosaic_0001>
#map = affine_map<(d0, d1) -> (0, 0)>
#map1 = affine_map<(d0, d1) -> (0, 0, 0)>
module attributes {stable_mosaic.version = 14 : i64} {
  func.func @_seg1_body(%arg0: i32, %arg1: i32, %arg2: memref<10000x64xf32, #tpu.memory_space<hbm>>, %arg3: memref<10000x64xf32, #tpu.memory_space<hbm>>, %arg4: memref<16x158x128xi32, #tpu.memory_space<hbm>>, %arg5: memref<16x158x128xi32, #tpu.memory_space<hbm>>, %arg6: memref<2x10240x64xf32, #tpu.memory_space<hbm>>, %arg7: memref<2x10240x16xf32, #tpu.memory_space<hbm>>, %arg8: memref<158x128xi32, #tpu.memory_space<vmem>>, %arg9: memref<158x128xi32, #tpu.memory_space<vmem>>, %arg10: memref<128x64xf32, #tpu.memory_space<vmem>>, %arg11: memref<128x64xf32, #tpu.memory_space<vmem>>, %arg12: memref<128x16xf32, #tpu.memory_space<vmem>>, %arg13: memref<10240x64xf32, #tpu.memory_space<vmem_shared>>, %arg14: memref<10240x16xf32, #tpu.memory_space<vmem_shared>>, %arg15: memref<!tpu.dma_semaphore, #tpu.memory_space<semaphore_mem>>, %arg16: memref<!tpu.dma_semaphore, #tpu.memory_space<semaphore_mem>>) attributes {dimension_semantics = [#tpu.dimension_semantics<core_parallel>, #tpu.dimension_semantics<subcore_parallel>], iteration_bounds = array<i64: 2, 16>, scalar_prefetch = 0 : i64, scratch_operands = 9 : i64, tpu.core_type = #tpu.core_type<sc_vector_subcore>, window_params = [{transform_indices = #map}, {transform_indices = #map}, {transform_indices = #map1}, {transform_indices = #map1}, {transform_indices = #map1}, {transform_indices = #map1}]} {
    %broadcast_in_dim3A = arith.constant 0.000000e+00 : f32
    %broadcast_in_dim3A_0 = vector.broadcast %broadcast_in_dim3A : f32 to vector<16xf32>
    %scan3A = arith.constant 0 : i32
    %scan3A_1 = arith.constant 0 : i32
    %scan3A_2 = arith.constant 128 : i32
    %scan3A_3 = arith.addi %scan3A_1, %scan3A_2 : i32
    %scan3A_4 = arith.constant 1 : i32
    scf.for %scan3A_76 = %scan3A_1 to %scan3A_3 step %scan3A_4  : i32 {
      %swap3A = arith.index_cast %scan3A_76 : i32 to index
      %swap3A_77 = arith.constant 0 : index
      %swap3A_78 = tpu.vector_load %arg10[%swap3A, %swap3A_77] {strides = array<i32>} : memref<128x64xf32, #tpu.memory_space<vmem>>, vector<1x16xf32>,
      %swap3A_79 = vector.shape_cast %swap3A_78 : vector<1x16xf32> to vector<16xf32>
      %swap3A_80 = vector.shape_cast %broadcast_in_dim3A_0 : vector<16xf32> to vector<1x16xf32>
      tpu.vector_store %arg10[%swap3A, %swap3A_77], %swap3A_80 {strides = array<i32>} : memref<128x64xf32, #tpu.memory_space<vmem>>, vector<1x16xf32>,
      %swap3A_81 = arith.index_cast %scan3A_76 : i32 to index
      %swap3A_82 = arith.constant 16 : index
      %swap3A_83 = tpu.vector_load %arg10[%swap3A_81, %swap3A_82] {strides = array<i32>} : memref<128x64xf32, #tpu.memory_space<vmem>>, vector<1x16xf32>,
      %swap3A_84 = vector.shape_cast %swap3A_83 : vector<1x16xf32> to vector<16xf32>
      %swap3A_85 = vector.shape_cast %broadcast_in_dim3A_0 : vector<16xf32> to vector<1x16xf32>
      tpu.vector_store %arg10[%swap3A_81, %swap3A_82], %swap3A_85 {strides = array<i32>} : memref<128x64xf32, #tpu.memory_space<vmem>>, vector<1x16xf32>,
      %swap3A_86 = arith.index_cast %scan3A_76 : i32 to index
      %swap3A_87 = arith.constant 32 : index
      %swap3A_88 = tpu.vector_load %arg10[%swap3A_86, %swap3A_87] {strides = array<i32>} : memref<128x64xf32, #tpu.memory_space<vmem>>, vector<1x16xf32>,
      %swap3A_89 = vector.shape_cast %swap3A_88 : vector<1x16xf32> to vector<16xf32>
      %swap3A_90 = vector.shape_cast %broadcast_in_dim3A_0 : vector<16xf32> to vector<1x16xf32>
      tpu.vector_store %arg10[%swap3A_86, %swap3A_87], %swap3A_90 {strides = array<i32>} : memref<128x64xf32, #tpu.memory_space<vmem>>, vector<1x16xf32>,
      %swap3A_91 = arith.index_cast %scan3A_76 : i32 to index
      %swap3A_92 = arith.constant 48 : index
      %swap3A_93 = tpu.vector_load %arg10[%swap3A_91, %swap3A_92] {strides = array<i32>} : memref<128x64xf32, #tpu.memory_space<vmem>>, vector<1x16xf32>,
      %swap3A_94 = vector.shape_cast %swap3A_93 : vector<1x16xf32> to vector<16xf32>
      %swap3A_95 = vector.shape_cast %broadcast_in_dim3A_0 : vector<16xf32> to vector<1x16xf32>
      tpu.vector_store %arg10[%swap3A_91, %swap3A_92], %swap3A_95 {strides = array<i32>} : memref<128x64xf32, #tpu.memory_space<vmem>>, vector<1x16xf32>,
    }
    %scan3A_5 = arith.constant 128 : i32
    %broadcast_in_dim3A_6 = arith.constant 0.000000e+00 : f32
    %broadcast_in_dim3A_7 = vector.broadcast %broadcast_in_dim3A_6 : f32 to vector<16xf32>
    %scan3A_8 = arith.constant 0 : i32
    %scan3A_9 = arith.constant 0 : i32
    %scan3A_10 = arith.constant 128 : i32
    %scan3A_11 = arith.addi %scan3A_9, %scan3A_10 : i32
    %scan3A_12 = arith.constant 1 : i32
    scf.for %scan3A_76 = %scan3A_9 to %scan3A_11 step %scan3A_12  : i32 {
      %swap3A = arith.index_cast %scan3A_76 : i32 to index
      %swap3A_77 = arith.constant 0 : index
      %swap3A_78 = tpu.vector_load %arg12[%swap3A, %swap3A_77] {strides = array<i32>} : memref<128x16xf32, #tpu.memory_space<vmem>>, vector<1x16xf32>,
      %swap3A_79 = vector.shape_cast %swap3A_78 : vector<1x16xf32> to vector<16xf32>
      %swap3A_80 = vector.shape_cast %broadcast_in_dim3A_7 : vector<16xf32> to vector<1x16xf32>
      tpu.vector_store %arg12[%swap3A, %swap3A_77], %swap3A_80 {strides = array<i32>} : memref<128x16xf32, #tpu.memory_space<vmem>>, vector<1x16xf32>,
    }
    %scan3A_13 = arith.constant 128 : i32
    %mul3A = arith.constant 640 : i32
    %mul3A_14 = arith.muli %arg1, %mul3A : i32
    %add3A = arith.constant 0 : i32
    %add3A_15 = arith.addi %mul3A_14, %add3A : i32
    "tpu.region"() ({
      %run_scoped3A = tpu.sem_alloc : memref<!tpu.dma_semaphore, #tpu.memory_space<semaphore_mem>>
      %dma_start3A = arith.constant 0 : i32
      %dma_start3A_76 = tpu.memref_slice %arg13[%add3A_15, %dma_start3A] : memref<10240x64xf32, #tpu.memory_space<vmem_shared>> -> memref<128x64xf32, #tpu.memory_space<vmem_shared>>
      %dma_start3A_77 = arith.constant 0 : i32
      %dma_start3A_78 = tpu.memref_slice %arg13[%add3A_15, %dma_start3A_77] : memref<10240x64xf32, #tpu.memory_space<vmem_shared>> -> memref<128x64xf32, #tpu.memory_space<vmem_shared>>
      tpu.enqueue_dma source(%arg10 : memref<128x64xf32, #tpu.memory_space<vmem>>) target(%dma_start3A_78 : memref<128x64xf32, #tpu.memory_space<vmem_shared>>) target_semaphore(%run_scoped3A : memref<!tpu.dma_semaphore, #tpu.memory_space<semaphore_mem>>)
      %dma_wait3A = arith.constant 0 : i32
      %dma_wait3A_79 = tpu.memref_slice %arg13[%add3A_15, %dma_wait3A] : memref<10240x64xf32, #tpu.memory_space<vmem_shared>> -> memref<128x64xf32, #tpu.memory_space<vmem_shared>>
      %dma_wait3A_80 = arith.constant 0 : i32
      %dma_wait3A_81 = tpu.memref_slice %arg13[%add3A_15, %dma_wait3A_80] : memref<10240x64xf32, #tpu.memory_space<vmem_shared>> -> memref<128x64xf32, #tpu.memory_space<vmem_shared>>
      tpu.wait_dma2 semaphore(%run_scoped3A : memref<!tpu.dma_semaphore, #tpu.memory_space<semaphore_mem>>) src(%arg10 : memref<128x64xf32, #tpu.memory_space<vmem>>) dst(%dma_wait3A_81 : memref<128x64xf32, #tpu.memory_space<vmem_shared>>)
      tpu.yield
    }) : () -> ()
    %mul3A_16 = arith.constant 640 : i32
    %mul3A_17 = arith.muli %arg1, %mul3A_16 : i32
    %add3A_18 = arith.constant 0 : i32
    %add3A_19 = arith.addi %mul3A_17, %add3A_18 : i32
    "tpu.region"() ({
      %run_scoped3A = tpu.sem_alloc : memref<!tpu.dma_semaphore, #tpu.memory_space<semaphore_mem>>
      %dma_start3A = arith.constant 0 : i32
      %dma_start3A_76 = tpu.memref_slice %arg14[%add3A_19, %dma_start3A] : memref<10240x16xf32, #tpu.memory_space<vmem_shared>> -> memref<128x16xf32, #tpu.memory_space<vmem_shared>>
      %dma_start3A_77 = arith.constant 0 : i32
      %dma_start3A_78 = tpu.memref_slice %arg14[%add3A_19, %dma_start3A_77] : memref<10240x16xf32, #tpu.memory_space<vmem_shared>> -> memref<128x16xf32, #tpu.memory_space<vmem_shared>>
      tpu.enqueue_dma source(%arg12 : memref<128x16xf32, #tpu.memory_space<vmem>>) target(%dma_start3A_78 : memref<128x16xf32, #tpu.memory_space<vmem_shared>>) target_semaphore(%run_scoped3A : memref<!tpu.dma_semaphore, #tpu.memory_space<semaphore_mem>>)
      %dma_wait3A = arith.constant 0 : i32
      %dma_wait3A_79 = tpu.memref_slice %arg14[%add3A_19, %dma_wait3A] : memref<10240x16xf32, #tpu.memory_space<vmem_shared>> -> memref<128x16xf32, #tpu.memory_space<vmem_shared>>
      %dma_wait3A_80 = arith.constant 0 : i32
      %dma_wait3A_81 = tpu.memref_slice %arg14[%add3A_19, %dma_wait3A_80] : memref<10240x16xf32, #tpu.memory_space<vmem_shared>> -> memref<128x16xf32, #tpu.memory_space<vmem_shared>>
      tpu.wait_dma2 semaphore(%run_scoped3A : memref<!tpu.dma_semaphore, #tpu.memory_space<semaphore_mem>>) src(%arg12 : memref<128x16xf32, #tpu.memory_space<vmem>>) dst(%dma_wait3A_81 : memref<128x16xf32, #tpu.memory_space<vmem_shared>>)
      tpu.yield
    }) : () -> ()
    %mul3A_20 = arith.constant 640 : i32
    %mul3A_21 = arith.muli %arg1, %mul3A_20 : i32
    %add3A_22 = arith.constant 128 : i32
    %add3A_23 = arith.addi %mul3A_21, %add3A_22 : i32
    "tpu.region"() ({
      %run_scoped3A = tpu.sem_alloc : memref<!tpu.dma_semaphore, #tpu.memory_space<semaphore_mem>>
      %dma_start3A = arith.constant 0 : i32
      %dma_start3A_76 = tpu.memref_slice %arg13[%add3A_23, %dma_start3A] : memref<10240x64xf32, #tpu.memory_space<vmem_shared>> -> memref<128x64xf32, #tpu.memory_space<vmem_shared>>
      %dma_start3A_77 = arith.constant 0 : i32
      %dma_start3A_78 = tpu.memref_slice %arg13[%add3A_23, %dma_start3A_77] : memref<10240x64xf32, #tpu.memory_space<vmem_shared>> -> memref<128x64xf32, #tpu.memory_space<vmem_shared>>
      tpu.enqueue_dma source(%arg10 : memref<128x64xf32, #tpu.memory_space<vmem>>) target(%dma_start3A_78 : memref<128x64xf32, #tpu.memory_space<vmem_shared>>) target_semaphore(%run_scoped3A : memref<!tpu.dma_semaphore, #tpu.memory_space<semaphore_mem>>)
      %dma_wait3A = arith.constant 0 : i32
      %dma_wait3A_79 = tpu.memref_slice %arg13[%add3A_23, %dma_wait3A] : memref<10240x64xf32, #tpu.memory_space<vmem_shared>> -> memref<128x64xf32, #tpu.memory_space<vmem_shared>>
      %dma_wait3A_80 = arith.constant 0 : i32
      %dma_wait3A_81 = tpu.memref_slice %arg13[%add3A_23, %dma_wait3A_80] : memref<10240x64xf32, #tpu.memory_space<vmem_shared>> -> memref<128x64xf32, #tpu.memory_space<vmem_shared>>
      tpu.wait_dma2 semaphore(%run_scoped3A : memref<!tpu.dma_semaphore, #tpu.memory_space<semaphore_mem>>) src(%arg10 : memref<128x64xf32, #tpu.memory_space<vmem>>) dst(%dma_wait3A_81 : memref<128x64xf32, #tpu.memory_space<vmem_shared>>)
      tpu.yield
    }) : () -> ()
    %mul3A_24 = arith.constant 640 : i32
    %mul3A_25 = arith.muli %arg1, %mul3A_24 : i32
    %add3A_26 = arith.constant 128 : i32
    %add3A_27 = arith.addi %mul3A_25, %add3A_26 : i32
    "tpu.region"() ({
      %run_scoped3A = tpu.sem_alloc : memref<!tpu.dma_semaphore, #tpu.memory_space<semaphore_mem>>
      %dma_start3A = arith.constant 0 : i32
      %dma_start3A_76 = tpu.memref_slice %arg14[%add3A_27, %dma_start3A] : memref<10240x16xf32, #tpu.memory_space<vmem_shared>> -> memref<128x16xf32, #tpu.memory_space<vmem_shared>>
      %dma_start3A_77 = arith.constant 0 : i32
      %dma_start3A_78 = tpu.memref_slice %arg14[%add3A_27, %dma_start3A_77] : memref<10240x16xf32, #tpu.memory_space<vmem_shared>> -> memref<128x16xf32, #tpu.memory_space<vmem_shared>>
      tpu.enqueue_dma source(%arg12 : memref<128x16xf32, #tpu.memory_space<vmem>>) target(%dma_start3A_78 : memref<128x16xf32, #tpu.memory_space<vmem_shared>>) target_semaphore(%run_scoped3A : memref<!tpu.dma_semaphore, #tpu.memory_space<semaphore_mem>>)
      %dma_wait3A = arith.constant 0 : i32
      %dma_wait3A_79 = tpu.memref_slice %arg14[%add3A_27, %dma_wait3A] : memref<10240x16xf32, #tpu.memory_space<vmem_shared>> -> memref<128x16xf32, #tpu.memory_space<vmem_shared>>
      %dma_wait3A_80 = arith.constant 0 : i32
      %dma_wait3A_81 = tpu.memref_slice %arg14[%add3A_27, %dma_wait3A_80] : memref<10240x16xf32, #tpu.memory_space<vmem_shared>> -> memref<128x16xf32, #tpu.memory_space<vmem_shared>>
      tpu.wait_dma2 semaphore(%run_scoped3A : memref<!tpu.dma_semaphore, #tpu.memory_space<semaphore_mem>>) src(%arg12 : memref<128x16xf32, #tpu.memory_space<vmem>>) dst(%dma_wait3A_81 : memref<128x16xf32, #tpu.memory_space<vmem_shared>>)
      tpu.yield
    }) : () -> ()
    %mul3A_28 = arith.constant 640 : i32
    %mul3A_29 = arith.muli %arg1, %mul3A_28 : i32
    %add3A_30 = arith.constant 256 : i32
    %add3A_31 = arith.addi %mul3A_29, %add3A_30 : i32
    "tpu.region"() ({
      %run_scoped3A = tpu.sem_alloc : memref<!tpu.dma_semaphore, #tpu.memory_space<semaphore_mem>>
      %dma_start3A = arith.constant 0 : i32
      %dma_start3A_76 = tpu.memref_slice %arg13[%add3A_31, %dma_start3A] : memref<10240x64xf32, #tpu.memory_space<vmem_shared>> -> memref<128x64xf32, #tpu.memory_space<vmem_shared>>
      %dma_start3A_77 = arith.constant 0 : i32
      %dma_start3A_78 = tpu.memref_slice %arg13[%add3A_31, %dma_start3A_77] : memref<10240x64xf32, #tpu.memory_space<vmem_shared>> -> memref<128x64xf32, #tpu.memory_space<vmem_shared>>
      tpu.enqueue_dma source(%arg10 : memref<128x64xf32, #tpu.memory_space<vmem>>) target(%dma_start3A_78 : memref<128x64xf32, #tpu.memory_space<vmem_shared>>) target_semaphore(%run_scoped3A : memref<!tpu.dma_semaphore, #tpu.memory_space<semaphore_mem>>)
      %dma_wait3A = arith.constant 0 : i32
      %dma_wait3A_79 = tpu.memref_slice %arg13[%add3A_31, %dma_wait3A] : memref<10240x64xf32, #tpu.memory_space<vmem_shared>> -> memref<128x64xf32, #tpu.memory_space<vmem_shared>>
      %dma_wait3A_80 = arith.constant 0 : i32
      %dma_wait3A_81 = tpu.memref_slice %arg13[%add3A_31, %dma_wait3A_80] : memref<10240x64xf32, #tpu.memory_space<vmem_shared>> -> memref<128x64xf32, #tpu.memory_space<vmem_shared>>
      tpu.wait_dma2 semaphore(%run_scoped3A : memref<!tpu.dma_semaphore, #tpu.memory_space<semaphore_mem>>) src(%arg10 : memref<128x64xf32, #tpu.memory_space<vmem>>) dst(%dma_wait3A_81 : memref<128x64xf32, #tpu.memory_space<vmem_shared>>)
      tpu.yield
    }) : () -> ()
    %mul3A_32 = arith.constant 640 : i32
    %mul3A_33 = arith.muli %arg1, %mul3A_32 : i32
    %add3A_34 = arith.constant 256 : i32
    %add3A_35 = arith.addi %mul3A_33, %add3A_34 : i32
    "tpu.region"() ({
      %run_scoped3A = tpu.sem_alloc : memref<!tpu.dma_semaphore, #tpu.memory_space<semaphore_mem>>
      %dma_start3A = arith.constant 0 : i32
      %dma_start3A_76 = tpu.memref_slice %arg14[%add3A_35, %dma_start3A] : memref<10240x16xf32, #tpu.memory_space<vmem_shared>> -> memref<128x16xf32, #tpu.memory_space<vmem_shared>>
      %dma_start3A_77 = arith.constant 0 : i32
      %dma_start3A_78 = tpu.memref_slice %arg14[%add3A_35, %dma_start3A_77] : memref<10240x16xf32, #tpu.memory_space<vmem_shared>> -> memref<128x16xf32, #tpu.memory_space<vmem_shared>>
      tpu.enqueue_dma source(%arg12 : memref<128x16xf32, #tpu.memory_space<vmem>>) target(%dma_start3A_78 : memref<128x16xf32, #tpu.memory_space<vmem_shared>>) target_semaphore(%run_scoped3A : memref<!tpu.dma_semaphore, #tpu.memory_space<semaphore_mem>>)
      %dma_wait3A = arith.constant 0 : i32
      %dma_wait3A_79 = tpu.memref_slice %arg14[%add3A_35, %dma_wait3A] : memref<10240x16xf32, #tpu.memory_space<vmem_shared>> -> memref<128x16xf32, #tpu.memory_space<vmem_shared>>
      %dma_wait3A_80 = arith.constant 0 : i32
      %dma_wait3A_81 = tpu.memref_slice %arg14[%add3A_35, %dma_wait3A_80] : memref<10240x16xf32, #tpu.memory_space<vmem_shared>> -> memref<128x16xf32, #tpu.memory_space<vmem_shared>>
      tpu.wait_dma2 semaphore(%run_scoped3A : memref<!tpu.dma_semaphore, #tpu.memory_space<semaphore_mem>>) src(%arg12 : memref<128x16xf32, #tpu.memory_space<vmem>>) dst(%dma_wait3A_81 : memref<128x16xf32, #tpu.memory_space<vmem_shared>>)
      tpu.yield
    }) : () -> ()
    %mul3A_36 = arith.constant 640 : i32
    %mul3A_37 = arith.muli %arg1, %mul3A_36 : i32
    %add3A_38 = arith.constant 384 : i32
    %add3A_39 = arith.addi %mul3A_37, %add3A_38 : i32
    "tpu.region"() ({
      %run_scoped3A = tpu.sem_alloc : memref<!tpu.dma_semaphore, #tpu.memory_space<semaphore_mem>>
      %dma_start3A = arith.constant 0 : i32
      %dma_start3A_76 = tpu.memref_slice %arg13[%add3A_39, %dma_start3A] : memref<10240x64xf32, #tpu.memory_space<vmem_shared>> -> memref<128x64xf32, #tpu.memory_space<vmem_shared>>
      %dma_start3A_77 = arith.constant 0 : i32
      %dma_start3A_78 = tpu.memref_slice %arg13[%add3A_39, %dma_start3A_77] : memref<10240x64xf32, #tpu.memory_space<vmem_shared>> -> memref<128x64xf32, #tpu.memory_space<vmem_shared>>
      tpu.enqueue_dma source(%arg10 : memref<128x64xf32, #tpu.memory_space<vmem>>) target(%dma_start3A_78 : memref<128x64xf32, #tpu.memory_space<vmem_shared>>) target_semaphore(%run_scoped3A : memref<!tpu.dma_semaphore, #tpu.memory_space<semaphore_mem>>)
      %dma_wait3A = arith.constant 0 : i32
      %dma_wait3A_79 = tpu.memref_slice %arg13[%add3A_39, %dma_wait3A] : memref<10240x64xf32, #tpu.memory_space<vmem_shared>> -> memref<128x64xf32, #tpu.memory_space<vmem_shared>>
      %dma_wait3A_80 = arith.constant 0 : i32
      %dma_wait3A_81 = tpu.memref_slice %arg13[%add3A_39, %dma_wait3A_80] : memref<10240x64xf32, #tpu.memory_space<vmem_shared>> -> memref<128x64xf32, #tpu.memory_space<vmem_shared>>
      tpu.wait_dma2 semaphore(%run_scoped3A : memref<!tpu.dma_semaphore, #tpu.memory_space<semaphore_mem>>) src(%arg10 : memref<128x64xf32, #tpu.memory_space<vmem>>) dst(%dma_wait3A_81 : memref<128x64xf32, #tpu.memory_space<vmem_shared>>)
      tpu.yield
    }) : () -> ()
    %mul3A_40 = arith.constant 640 : i32
    %mul3A_41 = arith.muli %arg1, %mul3A_40 : i32
    %add3A_42 = arith.constant 384 : i32
    %add3A_43 = arith.addi %mul3A_41, %add3A_42 : i32
    "tpu.region"() ({
      %run_scoped3A = tpu.sem_alloc : memref<!tpu.dma_semaphore, #tpu.memory_space<semaphore_mem>>
      %dma_start3A = arith.constant 0 : i32
      %dma_start3A_76 = tpu.memref_slice %arg14[%add3A_43, %dma_start3A] : memref<10240x16xf32, #tpu.memory_space<vmem_shared>> -> memref<128x16xf32, #tpu.memory_space<vmem_shared>>
      %dma_start3A_77 = arith.constant 0 : i32
      %dma_start3A_78 = tpu.memref_slice %arg14[%add3A_43, %dma_start3A_77] : memref<10240x16xf32, #tpu.memory_space<vmem_shared>> -> memref<128x16xf32, #tpu.memory_space<vmem_shared>>
      tpu.enqueue_dma source(%arg12 : memref<128x16xf32, #tpu.memory_space<vmem>>) target(%dma_start3A_78 : memref<128x16xf32, #tpu.memory_space<vmem_shared>>) target_semaphore(%run_scoped3A : memref<!tpu.dma_semaphore, #tpu.memory_space<semaphore_mem>>)
      %dma_wait3A = arith.constant 0 : i32
      %dma_wait3A_79 = tpu.memref_slice %arg14[%add3A_43, %dma_wait3A] : memref<10240x16xf32, #tpu.memory_space<vmem_shared>> -> memref<128x16xf32, #tpu.memory_space<vmem_shared>>
      %dma_wait3A_80 = arith.constant 0 : i32
      %dma_wait3A_81 = tpu.memref_slice %arg14[%add3A_43, %dma_wait3A_80] : memref<10240x16xf32, #tpu.memory_space<vmem_shared>> -> memref<128x16xf32, #tpu.memory_space<vmem_shared>>
      tpu.wait_dma2 semaphore(%run_scoped3A : memref<!tpu.dma_semaphore, #tpu.memory_space<semaphore_mem>>) src(%arg12 : memref<128x16xf32, #tpu.memory_space<vmem>>) dst(%dma_wait3A_81 : memref<128x16xf32, #tpu.memory_space<vmem_shared>>)
      tpu.yield
    }) : () -> ()
    %mul3A_44 = arith.constant 640 : i32
    %mul3A_45 = arith.muli %arg1, %mul3A_44 : i32
    %add3A_46 = arith.constant 512 : i32
    %add3A_47 = arith.addi %mul3A_45, %add3A_46 : i32
    "tpu.region"() ({
      %run_scoped3A = tpu.sem_alloc : memref<!tpu.dma_semaphore, #tpu.memory_space<semaphore_mem>>
      %dma_start3A = arith.constant 0 : i32
      %dma_start3A_76 = tpu.memref_slice %arg13[%add3A_47, %dma_start3A] : memref<10240x64xf32, #tpu.memory_space<vmem_shared>> -> memref<128x64xf32, #tpu.memory_space<vmem_shared>>
      %dma_start3A_77 = arith.constant 0 : i32
      %dma_start3A_78 = tpu.memref_slice %arg13[%add3A_47, %dma_start3A_77] : memref<10240x64xf32, #tpu.memory_space<vmem_shared>> -> memref<128x64xf32, #tpu.memory_space<vmem_shared>>
      tpu.enqueue_dma source(%arg10 : memref<128x64xf32, #tpu.memory_space<vmem>>) target(%dma_start3A_78 : memref<128x64xf32, #tpu.memory_space<vmem_shared>>) target_semaphore(%run_scoped3A : memref<!tpu.dma_semaphore, #tpu.memory_space<semaphore_mem>>)
      %dma_wait3A = arith.constant 0 : i32
      %dma_wait3A_79 = tpu.memref_slice %arg13[%add3A_47, %dma_wait3A] : memref<10240x64xf32, #tpu.memory_space<vmem_shared>> -> memref<128x64xf32, #tpu.memory_space<vmem_shared>>
      %dma_wait3A_80 = arith.constant 0 : i32
      %dma_wait3A_81 = tpu.memref_slice %arg13[%add3A_47, %dma_wait3A_80] : memref<10240x64xf32, #tpu.memory_space<vmem_shared>> -> memref<128x64xf32, #tpu.memory_space<vmem_shared>>
      tpu.wait_dma2 semaphore(%run_scoped3A : memref<!tpu.dma_semaphore, #tpu.memory_space<semaphore_mem>>) src(%arg10 : memref<128x64xf32, #tpu.memory_space<vmem>>) dst(%dma_wait3A_81 : memref<128x64xf32, #tpu.memory_space<vmem_shared>>)
      tpu.yield
    }) : () -> ()
    %mul3A_48 = arith.constant 640 : i32
    %mul3A_49 = arith.muli %arg1, %mul3A_48 : i32
    %add3A_50 = arith.constant 512 : i32
    %add3A_51 = arith.addi %mul3A_49, %add3A_50 : i32
    "tpu.region"() ({
      %run_scoped3A = tpu.sem_alloc : memref<!tpu.dma_semaphore, #tpu.memory_space<semaphore_mem>>
      %dma_start3A = arith.constant 0 : i32
      %dma_start3A_76 = tpu.memref_slice %arg14[%add3A_51, %dma_start3A] : memref<10240x16xf32, #tpu.memory_space<vmem_shared>> -> memref<128x16xf32, #tpu.memory_space<vmem_shared>>
      %dma_start3A_77 = arith.constant 0 : i32
      %dma_start3A_78 = tpu.memref_slice %arg14[%add3A_51, %dma_start3A_77] : memref<10240x16xf32, #tpu.memory_space<vmem_shared>> -> memref<128x16xf32, #tpu.memory_space<vmem_shared>>
      tpu.enqueue_dma source(%arg12 : memref<128x16xf32, #tpu.memory_space<vmem>>) target(%dma_start3A_78 : memref<128x16xf32, #tpu.memory_space<vmem_shared>>) target_semaphore(%run_scoped3A : memref<!tpu.dma_semaphore, #tpu.memory_space<semaphore_mem>>)
      %dma_wait3A = arith.constant 0 : i32
      %dma_wait3A_79 = tpu.memref_slice %arg14[%add3A_51, %dma_wait3A] : memref<10240x16xf32, #tpu.memory_space<vmem_shared>> -> memref<128x16xf32, #tpu.memory_space<vmem_shared>>
      %dma_wait3A_80 = arith.constant 0 : i32
      %dma_wait3A_81 = tpu.memref_slice %arg14[%add3A_51, %dma_wait3A_80] : memref<10240x16xf32, #tpu.memory_space<vmem_shared>> -> memref<128x16xf32, #tpu.memory_space<vmem_shared>>
      tpu.wait_dma2 semaphore(%run_scoped3A : memref<!tpu.dma_semaphore, #tpu.memory_space<semaphore_mem>>) src(%arg12 : memref<128x16xf32, #tpu.memory_space<vmem>>) dst(%dma_wait3A_81 : memref<128x16xf32, #tpu.memory_space<vmem_shared>>)
      tpu.yield
    }) : () -> ()
    %broadcast_in_dim3A_52 = arith.constant 1.000000e+00 : f32
    %broadcast_in_dim3A_53 = vector.broadcast %broadcast_in_dim3A_52 : f32 to vector<16xf32>
    %scan3A_54 = arith.constant 0 : i32
    %scan3A_55 = arith.constant 0 : i32
    %scan3A_56 = arith.constant 128 : i32
    %scan3A_57 = arith.addi %scan3A_55, %scan3A_56 : i32
    %scan3A_58 = arith.constant 1 : i32
    scf.for %scan3A_76 = %scan3A_55 to %scan3A_57 step %scan3A_58  : i32 {
      %swap3A = arith.index_cast %scan3A_76 : i32 to index
      %swap3A_77 = arith.constant 0 : index
      %swap3A_78 = tpu.vector_load %arg12[%swap3A, %swap3A_77] {strides = array<i32>} : memref<128x16xf32, #tpu.memory_space<vmem>>, vector<1x16xf32>,
      %swap3A_79 = vector.shape_cast %swap3A_78 : vector<1x16xf32> to vector<16xf32>
      %swap3A_80 = vector.shape_cast %broadcast_in_dim3A_53 : vector<16xf32> to vector<1x16xf32>
      tpu.vector_store %arg12[%swap3A, %swap3A_77], %swap3A_80 {strides = array<i32>} : memref<128x16xf32, #tpu.memory_space<vmem>>, vector<1x16xf32>,
    }
    %scan3A_59 = arith.constant 128 : i32
    "tpu.region"() ({
      %run_scoped3A = tpu.sem_alloc : memref<!tpu.dma_semaphore, #tpu.memory_space<semaphore_mem>>
      %dma_start3A = arith.constant 0 : i32
      %dma_start3A_76 = arith.constant 0 : i32
      %dma_start3A_77 = tpu.memref_slice %arg4[%arg1, %dma_start3A, %dma_start3A_76] : memref<16x158x128xi32, #tpu.memory_space<hbm>> -> memref<1x158x128xi32, #tpu.memory_space<hbm>>
      %dma_start3A_78 = tpu.memref_squeeze %dma_start3A_77 : memref<1x158x128xi32, #tpu.memory_space<hbm>> -> memref<158x128xi32, #tpu.memory_space<hbm>>
      %dma_start3A_79 = arith.constant 0 : i32
      %dma_start3A_80 = arith.constant 0 : i32
      %dma_start3A_81 = tpu.memref_slice %arg4[%arg1, %dma_start3A_79, %dma_start3A_80] : memref<16x158x128xi32, #tpu.memory_space<hbm>> -> memref<1x158x128xi32, #tpu.memory_space<hbm>>
      %dma_start3A_82 = tpu.memref_squeeze %dma_start3A_81 : memref<1x158x128xi32, #tpu.memory_space<hbm>> -> memref<158x128xi32, #tpu.memory_space<hbm>>
      tpu.enqueue_dma source(%dma_start3A_82 : memref<158x128xi32, #tpu.memory_space<hbm>>) target(%arg8 : memref<158x128xi32, #tpu.memory_space<vmem>>) target_semaphore(%run_scoped3A : memref<!tpu.dma_semaphore, #tpu.memory_space<semaphore_mem>>)
      %dma_wait3A = arith.constant 0 : i32
      %dma_wait3A_83 = arith.constant 0 : i32
      %dma_wait3A_84 = tpu.memref_slice %arg4[%arg1, %dma_wait3A, %dma_wait3A_83] : memref<16x158x128xi32, #tpu.memory_space<hbm>> -> memref<1x158x128xi32, #tpu.memory_space<hbm>>
      %dma_wait3A_85 = tpu.memref_squeeze %dma_wait3A_84 : memref<1x158x128xi32, #tpu.memory_space<hbm>> -> memref<158x128xi32, #tpu.memory_space<hbm>>
      %dma_wait3A_86 = arith.constant 0 : i32
      %dma_wait3A_87 = arith.constant 0 : i32
      %dma_wait3A_88 = tpu.memref_slice %arg4[%arg1, %dma_wait3A_86, %dma_wait3A_87] : memref<16x158x128xi32, #tpu.memory_space<hbm>> -> memref<1x158x128xi32, #tpu.memory_space<hbm>>
      %dma_wait3A_89 = tpu.memref_squeeze %dma_wait3A_88 : memref<1x158x128xi32, #tpu.memory_space<hbm>> -> memref<158x128xi32, #tpu.memory_space<hbm>>
      tpu.wait_dma2 semaphore(%run_scoped3A : memref<!tpu.dma_semaphore, #tpu.memory_space<semaphore_mem>>) src(%dma_wait3A_89 : memref<158x128xi32, #tpu.memory_space<hbm>>) dst(%arg8 : memref<158x128xi32, #tpu.memory_space<vmem>>)
      tpu.yield
    }) : () -> ()
    "tpu.region"() ({
      %run_scoped3A = tpu.sem_alloc : memref<!tpu.dma_semaphore, #tpu.memory_space<semaphore_mem>>
      %dma_start3A = arith.constant 0 : i32
      %dma_start3A_76 = arith.constant 0 : i32
      %dma_start3A_77 = tpu.memref_slice %arg5[%arg1, %dma_start3A, %dma_start3A_76] : memref<16x158x128xi32, #tpu.memory_space<hbm>> -> memref<1x158x128xi32, #tpu.memory_space<hbm>>
      %dma_start3A_78 = tpu.memref_squeeze %dma_start3A_77 : memref<1x158x128xi32, #tpu.memory_space<hbm>> -> memref<158x128xi32, #tpu.memory_space<hbm>>
      %dma_start3A_79 = arith.constant 0 : i32
      %dma_start3A_80 = arith.constant 0 : i32
      %dma_start3A_81 = tpu.memref_slice %arg5[%arg1, %dma_start3A_79, %dma_start3A_80] : memref<16x158x128xi32, #tpu.memory_space<hbm>> -> memref<1x158x128xi32, #tpu.memory_space<hbm>>
      %dma_start3A_82 = tpu.memref_squeeze %dma_start3A_81 : memref<1x158x128xi32, #tpu.memory_space<hbm>> -> memref<158x128xi32, #tpu.memory_space<hbm>>
      tpu.enqueue_dma source(%dma_start3A_82 : memref<158x128xi32, #tpu.memory_space<hbm>>) target(%arg9 : memref<158x128xi32, #tpu.memory_space<vmem>>) target_semaphore(%run_scoped3A : memref<!tpu.dma_semaphore, #tpu.memory_space<semaphore_mem>>)
      %dma_wait3A = arith.constant 0 : i32
      %dma_wait3A_83 = arith.constant 0 : i32
      %dma_wait3A_84 = tpu.memref_slice %arg5[%arg1, %dma_wait3A, %dma_wait3A_83] : memref<16x158x128xi32, #tpu.memory_space<hbm>> -> memref<1x158x128xi32, #tpu.memory_space<hbm>>
      %dma_wait3A_85 = tpu.memref_squeeze %dma_wait3A_84 : memref<1x158x128xi32, #tpu.memory_space<hbm>> -> memref<158x128xi32, #tpu.memory_space<hbm>>
      %dma_wait3A_86 = arith.constant 0 : i32
      %dma_wait3A_87 = arith.constant 0 : i32
      %dma_wait3A_88 = tpu.memref_slice %arg5[%arg1, %dma_wait3A_86, %dma_wait3A_87] : memref<16x158x128xi32, #tpu.memory_space<hbm>> -> memref<1x158x128xi32, #tpu.memory_space<hbm>>
      %dma_wait3A_89 = tpu.memref_squeeze %dma_wait3A_88 : memref<1x158x128xi32, #tpu.memory_space<hbm>> -> memref<158x128xi32, #tpu.memory_space<hbm>>
      tpu.wait_dma2 semaphore(%run_scoped3A : memref<!tpu.dma_semaphore, #tpu.memory_space<semaphore_mem>>) src(%dma_wait3A_89 : memref<158x128xi32, #tpu.memory_space<hbm>>) dst(%arg9 : memref<158x128xi32, #tpu.memory_space<vmem>>)
      tpu.yield
    }) : () -> ()
    %barrier3A = arith.constant 0 : index
    tpu.barrier barrier_id(%barrier3A)
    %eq3A = arith.constant 0 : i32
    %eq3A_60 = arith.cmpi eq, %arg0, %eq3A : i32
    %convert_element_type3A = arith.extui %eq3A_60 : i1 to i32
    %cond3A = arith.constant 0 : i32
    %cond3A_61 = arith.cmpi ne, %convert_element_type3A, %cond3A : i32
    scf.if %cond3A_61 {
      %dma_start3A = arith.constant 0 : i32
      %dma_start3A_76 = arith.constant 0 : i32
      %dma_start3A_77 = tpu.memref_slice %arg8[%dma_start3A, %dma_start3A_76] : memref<158x128xi32, #tpu.memory_space<vmem>> -> memref<1x128xi32, #tpu.memory_space<vmem>>
      %dma_start3A_78 = tpu.memref_squeeze %dma_start3A_77 : memref<1x128xi32, #tpu.memory_space<vmem>> -> memref<128xi32, #tpu.memory_space<vmem>>
      %dma_start3A_79 = arith.constant 0 : i32
      %dma_start3A_80 = arith.constant 0 : i32
      %dma_start3A_81 = tpu.memref_slice %arg2[%dma_start3A_79, %dma_start3A_80] : memref<10000x64xf32, #tpu.memory_space<hbm>> -> memref<10000x64xf32, #tpu.memory_space<hbm>>
      tpu.enqueue_indirect_dma source(%dma_start3A_81 : memref<10000x64xf32, #tpu.memory_space<hbm>>) target(%arg10 : memref<128x64xf32, #tpu.memory_space<vmem>>) offsets(%dma_start3A_78 : memref<128xi32, #tpu.memory_space<vmem>>) semaphore(%arg15 : memref<!tpu.dma_semaphore, #tpu.memory_space<semaphore_mem>>)
      %scan3A_82 = arith.constant 0 : i32
      %scan3A_83 = arith.constant 0 : i32
      %scan3A_84 = arith.constant 78 : i32
      %scan3A_85 = arith.addi %scan3A_83, %scan3A_84 : i32
      %scan3A_86 = arith.constant 1 : i32
      scf.for %scan3A_110 = %scan3A_83 to %scan3A_85 step %scan3A_86  : i32 {
        %mul3A_111 = arith.constant 2 : i32
        %mul3A_112 = arith.muli %mul3A_111, %scan3A_110 : i32
        %add3A_113 = arith.constant 1 : i32
        %add3A_114 = arith.addi %mul3A_112, %add3A_113 : i32
        %dma_start3A_115 = arith.constant 0 : i32
        %dma_start3A_116 = tpu.memref_slice %arg8[%add3A_114, %dma_start3A_115] : memref<158x128xi32, #tpu.memory_space<vmem>> -> memref<1x128xi32, #tpu.memory_space<vmem>>
        %dma_start3A_117 = tpu.memref_squeeze %dma_start3A_116 : memref<1x128xi32, #tpu.memory_space<vmem>> -> memref<128xi32, #tpu.memory_space<vmem>>
        %dma_start3A_118 = arith.constant 0 : i32
        %dma_start3A_119 = arith.constant 0 : i32
        %dma_start3A_120 = tpu.memref_slice %arg2[%dma_start3A_118, %dma_start3A_119] : memref<10000x64xf32, #tpu.memory_space<hbm>> -> memref<10000x64xf32, #tpu.memory_space<hbm>>
        tpu.enqueue_indirect_dma source(%dma_start3A_120 : memref<10000x64xf32, #tpu.memory_space<hbm>>) target(%arg11 : memref<128x64xf32, #tpu.memory_space<vmem>>) offsets(%dma_start3A_117 : memref<128xi32, #tpu.memory_space<vmem>>) semaphore(%arg16 : memref<!tpu.dma_semaphore, #tpu.memory_space<semaphore_mem>>)
        %dma_wait3A_121 = arith.constant 0 : i32
        %dma_wait3A_122 = tpu.memref_slice %arg8[%mul3A_112, %dma_wait3A_121] : memref<158x128xi32, #tpu.memory_space<vmem>> -> memref<1x128xi32, #tpu.memory_space<vmem>>
        %dma_wait3A_123 = tpu.memref_squeeze %dma_wait3A_122 : memref<1x128xi32, #tpu.memory_space<vmem>> -> memref<128xi32, #tpu.memory_space<vmem>>
        %dma_wait3A_124 = arith.constant 0 : i32
        %dma_wait3A_125 = arith.constant 0 : i32
        %dma_wait3A_126 = tpu.memref_slice %arg2[%dma_wait3A_124, %dma_wait3A_125] : memref<10000x64xf32, #tpu.memory_space<hbm>> -> memref<10000x64xf32, #tpu.memory_space<hbm>>
        tpu.wait_indirect_dma semaphore(%arg15 : memref<!tpu.dma_semaphore, #tpu.memory_space<semaphore_mem>>) src(%dma_wait3A_126 : memref<10000x64xf32, #tpu.memory_space<hbm>>) dst(%arg10 : memref<128x64xf32, #tpu.memory_space<vmem>>)
        "tpu.region"() ({
          %run_scoped3A_145 = tpu.sem_alloc : memref<!tpu.dma_semaphore, #tpu.memory_space<semaphore_mem>>
          %dma_start3A_146 = arith.constant 0 : i32
          %dma_start3A_147 = tpu.memref_slice %arg9[%mul3A_112, %dma_start3A_146] : memref<158x128xi32, #tpu.memory_space<vmem>> -> memref<1x128xi32, #tpu.memory_space<vmem>>
          %dma_start3A_148 = tpu.memref_squeeze %dma_start3A_147 : memref<1x128xi32, #tpu.memory_space<vmem>> -> memref<128xi32, #tpu.memory_space<vmem>>
          %dma_start3A_149 = arith.constant 0 : i32
          %dma_start3A_150 = arith.constant 0 : i32
          %dma_start3A_151 = tpu.memref_slice %arg13[%dma_start3A_149, %dma_start3A_150] : memref<10240x64xf32, #tpu.memory_space<vmem_shared>> -> memref<10240x64xf32, #tpu.memory_space<vmem_shared>>
          tpu.enqueue_indirect_dma source(%arg10 : memref<128x64xf32, #tpu.memory_space<vmem>>) target(%dma_start3A_151 : memref<10240x64xf32, #tpu.memory_space<vmem_shared>>) offsets(%dma_start3A_148 : memref<128xi32, #tpu.memory_space<vmem>>) semaphore(%run_scoped3A_145 : memref<!tpu.dma_semaphore, #tpu.memory_space<semaphore_mem>>) {add = true}
          %dma_wait3A_152 = arith.constant 0 : i32
          %dma_wait3A_153 = tpu.memref_slice %arg9[%mul3A_112, %dma_wait3A_152] : memref<158x128xi32, #tpu.memory_space<vmem>> -> memref<1x128xi32, #tpu.memory_space<vmem>>
          %dma_wait3A_154 = tpu.memref_squeeze %dma_wait3A_153 : memref<1x128xi32, #tpu.memory_space<vmem>> -> memref<128xi32, #tpu.memory_space<vmem>>
          %dma_wait3A_155 = arith.constant 0 : i32
          %dma_wait3A_156 = arith.constant 0 : i32
          %dma_wait3A_157 = tpu.memref_slice %arg13[%dma_wait3A_155, %dma_wait3A_156] : memref<10240x64xf32, #tpu.memory_space<vmem_shared>> -> memref<10240x64xf32, #tpu.memory_space<vmem_shared>>
          tpu.wait_indirect_dma semaphore(%run_scoped3A_145 : memref<!tpu.dma_semaphore, #tpu.memory_space<semaphore_mem>>) src(%arg10 : memref<128x64xf32, #tpu.memory_space<vmem>>) dst(%dma_wait3A_157 : memref<10240x64xf32, #tpu.memory_space<vmem_shared>>)
          tpu.yield
        }) : () -> ()
        "tpu.region"() ({
          %run_scoped3A_145 = tpu.sem_alloc : memref<!tpu.dma_semaphore, #tpu.memory_space<semaphore_mem>>
          %dma_start3A_146 = arith.constant 0 : i32
          %dma_start3A_147 = tpu.memref_slice %arg9[%mul3A_112, %dma_start3A_146] : memref<158x128xi32, #tpu.memory_space<vmem>> -> memref<1x128xi32, #tpu.memory_space<vmem>>
          %dma_start3A_148 = tpu.memref_squeeze %dma_start3A_147 : memref<1x128xi32, #tpu.memory_space<vmem>> -> memref<128xi32, #tpu.memory_space<vmem>>
          %dma_start3A_149 = arith.constant 0 : i32
          %dma_start3A_150 = arith.constant 0 : i32
          %dma_start3A_151 = tpu.memref_slice %arg14[%dma_start3A_149, %dma_start3A_150] : memref<10240x16xf32, #tpu.memory_space<vmem_shared>> -> memref<10240x16xf32, #tpu.memory_space<vmem_shared>>
          tpu.enqueue_indirect_dma source(%arg12 : memref<128x16xf32, #tpu.memory_space<vmem>>) target(%dma_start3A_151 : memref<10240x16xf32, #tpu.memory_space<vmem_shared>>) offsets(%dma_start3A_148 : memref<128xi32, #tpu.memory_space<vmem>>) semaphore(%run_scoped3A_145 : memref<!tpu.dma_semaphore, #tpu.memory_space<semaphore_mem>>) {add = true}
          %dma_wait3A_152 = arith.constant 0 : i32
          %dma_wait3A_153 = tpu.memref_slice %arg9[%mul3A_112, %dma_wait3A_152] : memref<158x128xi32, #tpu.memory_space<vmem>> -> memref<1x128xi32, #tpu.memory_space<vmem>>
          %dma_wait3A_154 = tpu.memref_squeeze %dma_wait3A_153 : memref<1x128xi32, #tpu.memory_space<vmem>> -> memref<128xi32, #tpu.memory_space<vmem>>
          %dma_wait3A_155 = arith.constant 0 : i32
          %dma_wait3A_156 = arith.constant 0 : i32
          %dma_wait3A_157 = tpu.memref_slice %arg14[%dma_wait3A_155, %dma_wait3A_156] : memref<10240x16xf32, #tpu.memory_space<vmem_shared>> -> memref<10240x16xf32, #tpu.memory_space<vmem_shared>>
          tpu.wait_indirect_dma semaphore(%run_scoped3A_145 : memref<!tpu.dma_semaphore, #tpu.memory_space<semaphore_mem>>) src(%arg12 : memref<128x16xf32, #tpu.memory_space<vmem>>) dst(%dma_wait3A_157 : memref<10240x16xf32, #tpu.memory_space<vmem_shared>>)
          tpu.yield
        }) : () -> ()
        %add3A_127 = arith.constant 2 : i32
        %add3A_128 = arith.addi %mul3A_112, %add3A_127 : i32
        %dma_start3A_129 = arith.constant 0 : i32
        %dma_start3A_130 = tpu.memref_slice %arg8[%add3A_128, %dma_start3A_129] : memref<158x128xi32, #tpu.memory_space<vmem>> -> memref<1x128xi32, #tpu.memory_space<vmem>>
        %dma_start3A_131 = tpu.memref_squeeze %dma_start3A_130 : memref<1x128xi32, #tpu.memory_space<vmem>> -> memref<128xi32, #tpu.memory_space<vmem>>
        %dma_start3A_132 = arith.constant 0 : i32
        %dma_start3A_133 = arith.constant 0 : i32
        %dma_start3A_134 = tpu.memref_slice %arg2[%dma_start3A_132, %dma_start3A_133] : memref<10000x64xf32, #tpu.memory_space<hbm>> -> memref<10000x64xf32, #tpu.memory_space<hbm>>
        tpu.enqueue_indirect_dma source(%dma_start3A_134 : memref<10000x64xf32, #tpu.memory_space<hbm>>) target(%arg10 : memref<128x64xf32, #tpu.memory_space<vmem>>) offsets(%dma_start3A_131 : memref<128xi32, #tpu.memory_space<vmem>>) semaphore(%arg15 : memref<!tpu.dma_semaphore, #tpu.memory_space<semaphore_mem>>)
        %add3A_135 = arith.constant 1 : i32
        %add3A_136 = arith.addi %mul3A_112, %add3A_135 : i32
        %dma_wait3A_137 = arith.constant 0 : i32
        %dma_wait3A_138 = tpu.memref_slice %arg8[%add3A_136, %dma_wait3A_137] : memref<158x128xi32, #tpu.memory_space<vmem>> -> memref<1x128xi32, #tpu.memory_space<vmem>>
        %dma_wait3A_139 = tpu.memref_squeeze %dma_wait3A_138 : memref<1x128xi32, #tpu.memory_space<vmem>> -> memref<128xi32, #tpu.memory_space<vmem>>
        %dma_wait3A_140 = arith.constant 0 : i32
        %dma_wait3A_141 = arith.constant 0 : i32
        %dma_wait3A_142 = tpu.memref_slice %arg2[%dma_wait3A_140, %dma_wait3A_141] : memref<10000x64xf32, #tpu.memory_space<hbm>> -> memref<10000x64xf32, #tpu.memory_space<hbm>>
        tpu.wait_indirect_dma semaphore(%arg16 : memref<!tpu.dma_semaphore, #tpu.memory_space<semaphore_mem>>) src(%dma_wait3A_142 : memref<10000x64xf32, #tpu.memory_space<hbm>>) dst(%arg11 : memref<128x64xf32, #tpu.memory_space<vmem>>)
        %add3A_143 = arith.constant 1 : i32
        %add3A_144 = arith.addi %mul3A_112, %add3A_143 : i32
        "tpu.region"() ({
          %run_scoped3A_145 = tpu.sem_alloc : memref<!tpu.dma_semaphore, #tpu.memory_space<semaphore_mem>>
          %dma_start3A_146 = arith.constant 0 : i32
          %dma_start3A_147 = tpu.memref_slice %arg9[%add3A_144, %dma_start3A_146] : memref<158x128xi32, #tpu.memory_space<vmem>> -> memref<1x128xi32, #tpu.memory_space<vmem>>
          %dma_start3A_148 = tpu.memref_squeeze %dma_start3A_147 : memref<1x128xi32, #tpu.memory_space<vmem>> -> memref<128xi32, #tpu.memory_space<vmem>>
          %dma_start3A_149 = arith.constant 0 : i32
          %dma_start3A_150 = arith.constant 0 : i32
          %dma_start3A_151 = tpu.memref_slice %arg13[%dma_start3A_149, %dma_start3A_150] : memref<10240x64xf32, #tpu.memory_space<vmem_shared>> -> memref<10240x64xf32, #tpu.memory_space<vmem_shared>>
          tpu.enqueue_indirect_dma source(%arg11 : memref<128x64xf32, #tpu.memory_space<vmem>>) target(%dma_start3A_151 : memref<10240x64xf32, #tpu.memory_space<vmem_shared>>) offsets(%dma_start3A_148 : memref<128xi32, #tpu.memory_space<vmem>>) semaphore(%run_scoped3A_145 : memref<!tpu.dma_semaphore, #tpu.memory_space<semaphore_mem>>) {add = true}
          %dma_wait3A_152 = arith.constant 0 : i32
          %dma_wait3A_153 = tpu.memref_slice %arg9[%add3A_144, %dma_wait3A_152] : memref<158x128xi32, #tpu.memory_space<vmem>> -> memref<1x128xi32, #tpu.memory_space<vmem>>
          %dma_wait3A_154 = tpu.memref_squeeze %dma_wait3A_153 : memref<1x128xi32, #tpu.memory_space<vmem>> -> memref<128xi32, #tpu.memory_space<vmem>>
          %dma_wait3A_155 = arith.constant 0 : i32
          %dma_wait3A_156 = arith.constant 0 : i32
          %dma_wait3A_157 = tpu.memref_slice %arg13[%dma_wait3A_155, %dma_wait3A_156] : memref<10240x64xf32, #tpu.memory_space<vmem_shared>> -> memref<10240x64xf32, #tpu.memory_space<vmem_shared>>
          tpu.wait_indirect_dma semaphore(%run_scoped3A_145 : memref<!tpu.dma_semaphore, #tpu.memory_space<semaphore_mem>>) src(%arg11 : memref<128x64xf32, #tpu.memory_space<vmem>>) dst(%dma_wait3A_157 : memref<10240x64xf32, #tpu.memory_space<vmem_shared>>)
          tpu.yield
        }) : () -> ()
      }
      %scan3A_87 = arith.constant 78 : i32
      %dma_start3A_88 = arith.constant 157 : i32
      %dma_start3A_89 = arith.constant 0 : i32
      %dma_start3A_90 = tpu.memref_slice %arg8[%dma_start3A_88, %dma_start3A_89] : memref<158x128xi32, #tpu.memory_space<vmem>> -> memref<1x128xi32, #tpu.memory_space<vmem>>
      %dma_start3A_91 = tpu.memref_squeeze %dma_start3A_90 : memref<1x128xi32, #tpu.memory_space<vmem>> -> memref<128xi32, #tpu.memory_space<vmem>>
      %dma_start3A_92 = arith.constant 0 : i32
      %dma_start3A_93 = arith.constant 0 : i32
      %dma_start3A_94 = tpu.memref_slice %arg2[%dma_start3A_92, %dma_start3A_93] : memref<10000x64xf32, #tpu.memory_space<hbm>> -> memref<10000x64xf32, #tpu.memory_space<hbm>>
      tpu.enqueue_indirect_dma source(%dma_start3A_94 : memref<10000x64xf32, #tpu.memory_space<hbm>>) target(%arg11 : memref<128x64xf32, #tpu.memory_space<vmem>>) offsets(%dma_start3A_91 : memref<128xi32, #tpu.memory_space<vmem>>) semaphore(%arg16 : memref<!tpu.dma_semaphore, #tpu.memory_space<semaphore_mem>>)
      %dma_wait3A = arith.constant 156 : i32
      %dma_wait3A_95 = arith.constant 0 : i32
      %dma_wait3A_96 = tpu.memref_slice %arg8[%dma_wait3A, %dma_wait3A_95] : memref<158x128xi32, #tpu.memory_space<vmem>> -> memref<1x128xi32, #tpu.memory_space<vmem>>
      %dma_wait3A_97 = tpu.memref_squeeze %dma_wait3A_96 : memref<1x128xi32, #tpu.memory_space<vmem>> -> memref<128xi32, #tpu.memory_space<vmem>>
      %dma_wait3A_98 = arith.constant 0 : i32
      %dma_wait3A_99 = arith.constant 0 : i32
      %dma_wait3A_100 = tpu.memref_slice %arg2[%dma_wait3A_98, %dma_wait3A_99] : memref<10000x64xf32, #tpu.memory_space<hbm>> -> memref<10000x64xf32, #tpu.memory_space<hbm>>
      tpu.wait_indirect_dma semaphore(%arg15 : memref<!tpu.dma_semaphore, #tpu.memory_space<semaphore_mem>>) src(%dma_wait3A_100 : memref<10000x64xf32, #tpu.memory_space<hbm>>) dst(%arg10 : memref<128x64xf32, #tpu.memory_space<vmem>>)
      %run_scoped3A = arith.constant 156 : i32
      "tpu.region"() ({
        %run_scoped3A_110 = tpu.sem_alloc : memref<!tpu.dma_semaphore, #tpu.memory_space<semaphore_mem>>
        %dma_start3A_111 = arith.constant 0 : i32
        %dma_start3A_112 = tpu.memref_slice %arg9[%run_scoped3A, %dma_start3A_111] : memref<158x128xi32, #tpu.memory_space<vmem>> -> memref<1x128xi32, #tpu.memory_space<vmem>>
        %dma_start3A_113 = tpu.memref_squeeze %dma_start3A_112 : memref<1x128xi32, #tpu.memory_space<vmem>> -> memref<128xi32, #tpu.memory_space<vmem>>
        %dma_start3A_114 = arith.constant 0 : i32
        %dma_start3A_115 = arith.constant 0 : i32
        %dma_start3A_116 = tpu.memref_slice %arg13[%dma_start3A_114, %dma_start3A_115] : memref<10240x64xf32, #tpu.memory_space<vmem_shared>> -> memref<10240x64xf32, #tpu.memory_space<vmem_shared>>
        tpu.enqueue_indirect_dma source(%arg10 : memref<128x64xf32, #tpu.memory_space<vmem>>) target(%dma_start3A_116 : memref<10240x64xf32, #tpu.memory_space<vmem_shared>>) offsets(%dma_start3A_113 : memref<128xi32, #tpu.memory_space<vmem>>) semaphore(%run_scoped3A_110 : memref<!tpu.dma_semaphore, #tpu.memory_space<semaphore_mem>>) {add = true}
        %dma_wait3A_117 = arith.constant 0 : i32
        %dma_wait3A_118 = tpu.memref_slice %arg9[%run_scoped3A, %dma_wait3A_117] : memref<158x128xi32, #tpu.memory_space<vmem>> -> memref<1x128xi32, #tpu.memory_space<vmem>>
        %dma_wait3A_119 = tpu.memref_squeeze %dma_wait3A_118 : memref<1x128xi32, #tpu.memory_space<vmem>> -> memref<128xi32, #tpu.memory_space<vmem>>
        %dma_wait3A_120 = arith.constant 0 : i32
        %dma_wait3A_121 = arith.constant 0 : i32
        %dma_wait3A_122 = tpu.memref_slice %arg13[%dma_wait3A_120, %dma_wait3A_121] : memref<10240x64xf32, #tpu.memory_space<vmem_shared>> -> memref<10240x64xf32, #tpu.memory_space<vmem_shared>>
        tpu.wait_indirect_dma semaphore(%run_scoped3A_110 : memref<!tpu.dma_semaphore, #tpu.memory_space<semaphore_mem>>) src(%arg10 : memref<128x64xf32, #tpu.memory_space<vmem>>) dst(%dma_wait3A_122 : memref<10240x64xf32, #tpu.memory_space<vmem_shared>>)
        tpu.yield
      }) : () -> ()
      %run_scoped3A_101 = arith.constant 156 : i32
      "tpu.region"() ({
        %run_scoped3A_110 = tpu.sem_alloc : memref<!tpu.dma_semaphore, #tpu.memory_space<semaphore_mem>>
        %dma_start3A_111 = arith.constant 0 : i32
        %dma_start3A_112 = tpu.memref_slice %arg9[%run_scoped3A_101, %dma_start3A_111] : memref<158x128xi32, #tpu.memory_space<vmem>> -> memref<1x128xi32, #tpu.memory_space<vmem>>
        %dma_start3A_113 = tpu.memref_squeeze %dma_start3A_112 : memref<1x128xi32, #tpu.memory_space<vmem>> -> memref<128xi32, #tpu.memory_space<vmem>>
        %dma_start3A_114 = arith.constant 0 : i32
        %dma_start3A_115 = arith.constant 0 : i32
        %dma_start3A_116 = tpu.memref_slice %arg14[%dma_start3A_114, %dma_start3A_115] : memref<10240x16xf32, #tpu.memory_space<vmem_shared>> -> memref<10240x16xf32, #tpu.memory_space<vmem_shared>>
        tpu.enqueue_indirect_dma source(%arg12 : memref<128x16xf32, #tpu.memory_space<vmem>>) target(%dma_start3A_116 : memref<10240x16xf32, #tpu.memory_space<vmem_shared>>) offsets(%dma_start3A_113 : memref<128xi32, #tpu.memory_space<vmem>>) semaphore(%run_scoped3A_110 : memref<!tpu.dma_semaphore, #tpu.memory_space<semaphore_mem>>) {add = true}
        %dma_wait3A_117 = arith.constant 0 : i32
        %dma_wait3A_118 = tpu.memref_slice %arg9[%run_scoped3A_101, %dma_wait3A_117] : memref<158x128xi32, #tpu.memory_space<vmem>> -> memref<1x128xi32, #tpu.memory_space<vmem>>
        %dma_wait3A_119 = tpu.memref_squeeze %dma_wait3A_118 : memref<1x128xi32, #tpu.memory_space<vmem>> -> memref<128xi32, #tpu.memory_space<vmem>>
        %dma_wait3A_120 = arith.constant 0 : i32
        %dma_wait3A_121 = arith.constant 0 : i32
        %dma_wait3A_122 = tpu.memref_slice %arg14[%dma_wait3A_120, %dma_wait3A_121] : memref<10240x16xf32, #tpu.memory_space<vmem_shared>> -> memref<10240x16xf32, #tpu.memory_space<vmem_shared>>
        tpu.wait_indirect_dma semaphore(%run_scoped3A_110 : memref<!tpu.dma_semaphore, #tpu.memory_space<semaphore_mem>>) src(%arg12 : memref<128x16xf32, #tpu.memory_space<vmem>>) dst(%dma_wait3A_122 : memref<10240x16xf32, #tpu.memory_space<vmem_shared>>)
        tpu.yield
      }) : () -> ()
      %dma_wait3A_102 = arith.constant 157 : i32
      %dma_wait3A_103 = arith.constant 0 : i32
      %dma_wait3A_104 = tpu.memref_slice %arg8[%dma_wait3A_102, %dma_wait3A_103] : memref<158x128xi32, #tpu.memory_space<vmem>> -> memref<1x128xi32, #tpu.memory_space<vmem>>
      %dma_wait3A_105 = tpu.memref_squeeze %dma_wait3A_104 : memref<1x128xi32, #tpu.memory_space<vmem>> -> memref<128xi32, #tpu.memory_space<vmem>>
      %dma_wait3A_106 = arith.constant 0 : i32
      %dma_wait3A_107 = arith.constant 0 : i32
      %dma_wait3A_108 = tpu.memref_slice %arg2[%dma_wait3A_106, %dma_wait3A_107] : memref<10000x64xf32, #tpu.memory_space<hbm>> -> memref<10000x64xf32, #tpu.memory_space<hbm>>
      tpu.wait_indirect_dma semaphore(%arg16 : memref<!tpu.dma_semaphore, #tpu.memory_space<semaphore_mem>>) src(%dma_wait3A_108 : memref<10000x64xf32, #tpu.memory_space<hbm>>) dst(%arg11 : memref<128x64xf32, #tpu.memory_space<vmem>>)
      %run_scoped3A_109 = arith.constant 157 : i32
      "tpu.region"() ({
        %run_scoped3A_110 = tpu.sem_alloc : memref<!tpu.dma_semaphore, #tpu.memory_space<semaphore_mem>>
        %dma_start3A_111 = arith.constant 0 : i32
        %dma_start3A_112 = tpu.memref_slice %arg9[%run_scoped3A_109, %dma_start3A_111] : memref<158x128xi32, #tpu.memory_space<vmem>> -> memref<1x128xi32, #tpu.memory_space<vmem>>
        %dma_start3A_113 = tpu.memref_squeeze %dma_start3A_112 : memref<1x128xi32, #tpu.memory_space<vmem>> -> memref<128xi32, #tpu.memory_space<vmem>>
        %dma_start3A_114 = arith.constant 0 : i32
        %dma_start3A_115 = arith.constant 0 : i32
        %dma_start3A_116 = tpu.memref_slice %arg13[%dma_start3A_114, %dma_start3A_115] : memref<10240x64xf32, #tpu.memory_space<vmem_shared>> -> memref<10240x64xf32, #tpu.memory_space<vmem_shared>>
        tpu.enqueue_indirect_dma source(%arg11 : memref<128x64xf32, #tpu.memory_space<vmem>>) target(%dma_start3A_116 : memref<10240x64xf32, #tpu.memory_space<vmem_shared>>) offsets(%dma_start3A_113 : memref<128xi32, #tpu.memory_space<vmem>>) semaphore(%run_scoped3A_110 : memref<!tpu.dma_semaphore, #tpu.memory_space<semaphore_mem>>) {add = true}
        %dma_wait3A_117 = arith.constant 0 : i32
        %dma_wait3A_118 = tpu.memref_slice %arg9[%run_scoped3A_109, %dma_wait3A_117] : memref<158x128xi32, #tpu.memory_space<vmem>> -> memref<1x128xi32, #tpu.memory_space<vmem>>
        %dma_wait3A_119 = tpu.memref_squeeze %dma_wait3A_118 : memref<1x128xi32, #tpu.memory_space<vmem>> -> memref<128xi32, #tpu.memory_space<vmem>>
        %dma_wait3A_120 = arith.constant 0 : i32
        %dma_wait3A_121 = arith.constant 0 : i32
        %dma_wait3A_122 = tpu.memref_slice %arg13[%dma_wait3A_120, %dma_wait3A_121] : memref<10240x64xf32, #tpu.memory_space<vmem_shared>> -> memref<10240x64xf32, #tpu.memory_space<vmem_shared>>
        tpu.wait_indirect_dma semaphore(%run_scoped3A_110 : memref<!tpu.dma_semaphore, #tpu.memory_space<semaphore_mem>>) src(%arg11 : memref<128x64xf32, #tpu.memory_space<vmem>>) dst(%dma_wait3A_122 : memref<10240x64xf32, #tpu.memory_space<vmem_shared>>)
        tpu.yield
      }) : () -> ()
    } else {
    }
    %eq3A_62 = arith.constant 1 : i32
    %eq3A_63 = arith.cmpi eq, %arg0, %eq3A_62 : i32
    %convert_element_type3A_64 = arith.extui %eq3A_63 : i1 to i32
    %cond3A_65 = arith.constant 0 : i32
    %cond3A_66 = arith.cmpi ne, %convert_element_type3A_64, %cond3A_65 : i32
    scf.if %cond3A_66 {
      %dma_start3A = arith.constant 0 : i32
      %dma_start3A_76 = arith.constant 0 : i32
      %dma_start3A_77 = tpu.memref_slice %arg8[%dma_start3A, %dma_start3A_76] : memref<158x128xi32, #tpu.memory_space<vmem>> -> memref<1x128xi32, #tpu.memory_space<vmem>>
      %dma_start3A_78 = tpu.memref_squeeze %dma_start3A_77 : memref<1x128xi32, #tpu.memory_space<vmem>> -> memref<128xi32, #tpu.memory_space<vmem>>
      %dma_start3A_79 = arith.constant 0 : i32
      %dma_start3A_80 = arith.constant 0 : i32
      %dma_start3A_81 = tpu.memref_slice %arg3[%dma_start3A_79, %dma_start3A_80] : memref<10000x64xf32, #tpu.memory_space<hbm>> -> memref<10000x64xf32, #tpu.memory_space<hbm>>
      tpu.enqueue_indirect_dma source(%dma_start3A_81 : memref<10000x64xf32, #tpu.memory_space<hbm>>) target(%arg10 : memref<128x64xf32, #tpu.memory_space<vmem>>) offsets(%dma_start3A_78 : memref<128xi32, #tpu.memory_space<vmem>>) semaphore(%arg15 : memref<!tpu.dma_semaphore, #tpu.memory_space<semaphore_mem>>)
      %scan3A_82 = arith.constant 0 : i32
      %scan3A_83 = arith.constant 0 : i32
      %scan3A_84 = arith.constant 78 : i32
      %scan3A_85 = arith.addi %scan3A_83, %scan3A_84 : i32
      %scan3A_86 = arith.constant 1 : i32
      scf.for %scan3A_110 = %scan3A_83 to %scan3A_85 step %scan3A_86  : i32 {
        %mul3A_111 = arith.constant 2 : i32
        %mul3A_112 = arith.muli %mul3A_111, %scan3A_110 : i32
        %add3A_113 = arith.constant 1 : i32
        %add3A_114 = arith.addi %mul3A_112, %add3A_113 : i32
        %dma_start3A_115 = arith.constant 0 : i32
        %dma_start3A_116 = tpu.memref_slice %arg8[%add3A_114, %dma_start3A_115] : memref<158x128xi32, #tpu.memory_space<vmem>> -> memref<1x128xi32, #tpu.memory_space<vmem>>
        %dma_start3A_117 = tpu.memref_squeeze %dma_start3A_116 : memref<1x128xi32, #tpu.memory_space<vmem>> -> memref<128xi32, #tpu.memory_space<vmem>>
        %dma_start3A_118 = arith.constant 0 : i32
        %dma_start3A_119 = arith.constant 0 : i32
        %dma_start3A_120 = tpu.memref_slice %arg3[%dma_start3A_118, %dma_start3A_119] : memref<10000x64xf32, #tpu.memory_space<hbm>> -> memref<10000x64xf32, #tpu.memory_space<hbm>>
        tpu.enqueue_indirect_dma source(%dma_start3A_120 : memref<10000x64xf32, #tpu.memory_space<hbm>>) target(%arg11 : memref<128x64xf32, #tpu.memory_space<vmem>>) offsets(%dma_start3A_117 : memref<128xi32, #tpu.memory_space<vmem>>) semaphore(%arg16 : memref<!tpu.dma_semaphore, #tpu.memory_space<semaphore_mem>>)
        %dma_wait3A_121 = arith.constant 0 : i32
        %dma_wait3A_122 = tpu.memref_slice %arg8[%mul3A_112, %dma_wait3A_121] : memref<158x128xi32, #tpu.memory_space<vmem>> -> memref<1x128xi32, #tpu.memory_space<vmem>>
        %dma_wait3A_123 = tpu.memref_squeeze %dma_wait3A_122 : memref<1x128xi32, #tpu.memory_space<vmem>> -> memref<128xi32, #tpu.memory_space<vmem>>
        %dma_wait3A_124 = arith.constant 0 : i32
        %dma_wait3A_125 = arith.constant 0 : i32
        %dma_wait3A_126 = tpu.memref_slice %arg3[%dma_wait3A_124, %dma_wait3A_125] : memref<10000x64xf32, #tpu.memory_space<hbm>> -> memref<10000x64xf32, #tpu.memory_space<hbm>>
        tpu.wait_indirect_dma semaphore(%arg15 : memref<!tpu.dma_semaphore, #tpu.memory_space<semaphore_mem>>) src(%dma_wait3A_126 : memref<10000x64xf32, #tpu.memory_space<hbm>>) dst(%arg10 : memref<128x64xf32, #tpu.memory_space<vmem>>)
        "tpu.region"() ({
          %run_scoped3A_145 = tpu.sem_alloc : memref<!tpu.dma_semaphore, #tpu.memory_space<semaphore_mem>>
          %dma_start3A_146 = arith.constant 0 : i32
          %dma_start3A_147 = tpu.memref_slice %arg9[%mul3A_112, %dma_start3A_146] : memref<158x128xi32, #tpu.memory_space<vmem>> -> memref<1x128xi32, #tpu.memory_space<vmem>>
          %dma_start3A_148 = tpu.memref_squeeze %dma_start3A_147 : memref<1x128xi32, #tpu.memory_space<vmem>> -> memref<128xi32, #tpu.memory_space<vmem>>
          %dma_start3A_149 = arith.constant 0 : i32
          %dma_start3A_150 = arith.constant 0 : i32
          %dma_start3A_151 = tpu.memref_slice %arg13[%dma_start3A_149, %dma_start3A_150] : memref<10240x64xf32, #tpu.memory_space<vmem_shared>> -> memref<10240x64xf32, #tpu.memory_space<vmem_shared>>
          tpu.enqueue_indirect_dma source(%arg10 : memref<128x64xf32, #tpu.memory_space<vmem>>) target(%dma_start3A_151 : memref<10240x64xf32, #tpu.memory_space<vmem_shared>>) offsets(%dma_start3A_148 : memref<128xi32, #tpu.memory_space<vmem>>) semaphore(%run_scoped3A_145 : memref<!tpu.dma_semaphore, #tpu.memory_space<semaphore_mem>>) {add = true}
          %dma_wait3A_152 = arith.constant 0 : i32
          %dma_wait3A_153 = tpu.memref_slice %arg9[%mul3A_112, %dma_wait3A_152] : memref<158x128xi32, #tpu.memory_space<vmem>> -> memref<1x128xi32, #tpu.memory_space<vmem>>
          %dma_wait3A_154 = tpu.memref_squeeze %dma_wait3A_153 : memref<1x128xi32, #tpu.memory_space<vmem>> -> memref<128xi32, #tpu.memory_space<vmem>>
          %dma_wait3A_155 = arith.constant 0 : i32
          %dma_wait3A_156 = arith.constant 0 : i32
          %dma_wait3A_157 = tpu.memref_slice %arg13[%dma_wait3A_155, %dma_wait3A_156] : memref<10240x64xf32, #tpu.memory_space<vmem_shared>> -> memref<10240x64xf32, #tpu.memory_space<vmem_shared>>
          tpu.wait_indirect_dma semaphore(%run_scoped3A_145 : memref<!tpu.dma_semaphore, #tpu.memory_space<semaphore_mem>>) src(%arg10 : memref<128x64xf32, #tpu.memory_space<vmem>>) dst(%dma_wait3A_157 : memref<10240x64xf32, #tpu.memory_space<vmem_shared>>)
          tpu.yield
        }) : () -> ()
        %add3A_127 = arith.constant 2 : i32
        %add3A_128 = arith.addi %mul3A_112, %add3A_127 : i32
        %dma_start3A_129 = arith.constant 0 : i32
        %dma_start3A_130 = tpu.memref_slice %arg8[%add3A_128, %dma_start3A_129] : memref<158x128xi32, #tpu.memory_space<vmem>> -> memref<1x128xi32, #tpu.memory_space<vmem>>
        %dma_start3A_131 = tpu.memref_squeeze %dma_start3A_130 : memref<1x128xi32, #tpu.memory_space<vmem>> -> memref<128xi32, #tpu.memory_space<vmem>>
        %dma_start3A_132 = arith.constant 0 : i32
        %dma_start3A_133 = arith.constant 0 : i32
        %dma_start3A_134 = tpu.memref_slice %arg3[%dma_start3A_132, %dma_start3A_133] : memref<10000x64xf32, #tpu.memory_space<hbm>> -> memref<10000x64xf32, #tpu.memory_space<hbm>>
        tpu.enqueue_indirect_dma source(%dma_start3A_134 : memref<10000x64xf32, #tpu.memory_space<hbm>>) target(%arg10 : memref<128x64xf32, #tpu.memory_space<vmem>>) offsets(%dma_start3A_131 : memref<128xi32, #tpu.memory_space<vmem>>) semaphore(%arg15 : memref<!tpu.dma_semaphore, #tpu.memory_space<semaphore_mem>>)
        %add3A_135 = arith.constant 1 : i32
        %add3A_136 = arith.addi %mul3A_112, %add3A_135 : i32
        %dma_wait3A_137 = arith.constant 0 : i32
        %dma_wait3A_138 = tpu.memref_slice %arg8[%add3A_136, %dma_wait3A_137] : memref<158x128xi32, #tpu.memory_space<vmem>> -> memref<1x128xi32, #tpu.memory_space<vmem>>
        %dma_wait3A_139 = tpu.memref_squeeze %dma_wait3A_138 : memref<1x128xi32, #tpu.memory_space<vmem>> -> memref<128xi32, #tpu.memory_space<vmem>>
        %dma_wait3A_140 = arith.constant 0 : i32
        %dma_wait3A_141 = arith.constant 0 : i32
        %dma_wait3A_142 = tpu.memref_slice %arg3[%dma_wait3A_140, %dma_wait3A_141] : memref<10000x64xf32, #tpu.memory_space<hbm>> -> memref<10000x64xf32, #tpu.memory_space<hbm>>
        tpu.wait_indirect_dma semaphore(%arg16 : memref<!tpu.dma_semaphore, #tpu.memory_space<semaphore_mem>>) src(%dma_wait3A_142 : memref<10000x64xf32, #tpu.memory_space<hbm>>) dst(%arg11 : memref<128x64xf32, #tpu.memory_space<vmem>>)
        %add3A_143 = arith.constant 1 : i32
        %add3A_144 = arith.addi %mul3A_112, %add3A_143 : i32
        "tpu.region"() ({
          %run_scoped3A_145 = tpu.sem_alloc : memref<!tpu.dma_semaphore, #tpu.memory_space<semaphore_mem>>
          %dma_start3A_146 = arith.constant 0 : i32
          %dma_start3A_147 = tpu.memref_slice %arg9[%add3A_144, %dma_start3A_146] : memref<158x128xi32, #tpu.memory_space<vmem>> -> memref<1x128xi32, #tpu.memory_space<vmem>>
          %dma_start3A_148 = tpu.memref_squeeze %dma_start3A_147 : memref<1x128xi32, #tpu.memory_space<vmem>> -> memref<128xi32, #tpu.memory_space<vmem>>
          %dma_start3A_149 = arith.constant 0 : i32
          %dma_start3A_150 = arith.constant 0 : i32
          %dma_start3A_151 = tpu.memref_slice %arg13[%dma_start3A_149, %dma_start3A_150] : memref<10240x64xf32, #tpu.memory_space<vmem_shared>> -> memref<10240x64xf32, #tpu.memory_space<vmem_shared>>
          tpu.enqueue_indirect_dma source(%arg11 : memref<128x64xf32, #tpu.memory_space<vmem>>) target(%dma_start3A_151 : memref<10240x64xf32, #tpu.memory_space<vmem_shared>>) offsets(%dma_start3A_148 : memref<128xi32, #tpu.memory_space<vmem>>) semaphore(%run_scoped3A_145 : memref<!tpu.dma_semaphore, #tpu.memory_space<semaphore_mem>>) {add = true}
          %dma_wait3A_152 = arith.constant 0 : i32
          %dma_wait3A_153 = tpu.memref_slice %arg9[%add3A_144, %dma_wait3A_152] : memref<158x128xi32, #tpu.memory_space<vmem>> -> memref<1x128xi32, #tpu.memory_space<vmem>>
          %dma_wait3A_154 = tpu.memref_squeeze %dma_wait3A_153 : memref<1x128xi32, #tpu.memory_space<vmem>> -> memref<128xi32, #tpu.memory_space<vmem>>
          %dma_wait3A_155 = arith.constant 0 : i32
          %dma_wait3A_156 = arith.constant 0 : i32
          %dma_wait3A_157 = tpu.memref_slice %arg13[%dma_wait3A_155, %dma_wait3A_156] : memref<10240x64xf32, #tpu.memory_space<vmem_shared>> -> memref<10240x64xf32, #tpu.memory_space<vmem_shared>>
          tpu.wait_indirect_dma semaphore(%run_scoped3A_145 : memref<!tpu.dma_semaphore, #tpu.memory_space<semaphore_mem>>) src(%arg11 : memref<128x64xf32, #tpu.memory_space<vmem>>) dst(%dma_wait3A_157 : memref<10240x64xf32, #tpu.memory_space<vmem_shared>>)
          tpu.yield
        }) : () -> ()
        "tpu.region"() ({
          %run_scoped3A_145 = tpu.sem_alloc : memref<!tpu.dma_semaphore, #tpu.memory_space<semaphore_mem>>
          %dma_start3A_146 = arith.constant 0 : i32
          %dma_start3A_147 = tpu.memref_slice %arg9[%add3A_144, %dma_start3A_146] : memref<158x128xi32, #tpu.memory_space<vmem>> -> memref<1x128xi32, #tpu.memory_space<vmem>>
          %dma_start3A_148 = tpu.memref_squeeze %dma_start3A_147 : memref<1x128xi32, #tpu.memory_space<vmem>> -> memref<128xi32, #tpu.memory_space<vmem>>
          %dma_start3A_149 = arith.constant 0 : i32
          %dma_start3A_150 = arith.constant 0 : i32
          %dma_start3A_151 = tpu.memref_slice %arg14[%dma_start3A_149, %dma_start3A_150] : memref<10240x16xf32, #tpu.memory_space<vmem_shared>> -> memref<10240x16xf32, #tpu.memory_space<vmem_shared>>
          tpu.enqueue_indirect_dma source(%arg12 : memref<128x16xf32, #tpu.memory_space<vmem>>) target(%dma_start3A_151 : memref<10240x16xf32, #tpu.memory_space<vmem_shared>>) offsets(%dma_start3A_148 : memref<128xi32, #tpu.memory_space<vmem>>) semaphore(%run_scoped3A_145 : memref<!tpu.dma_semaphore, #tpu.memory_space<semaphore_mem>>) {add = true}
          %dma_wait3A_152 = arith.constant 0 : i32
          %dma_wait3A_153 = tpu.memref_slice %arg9[%add3A_144, %dma_wait3A_152] : memref<158x128xi32, #tpu.memory_space<vmem>> -> memref<1x128xi32, #tpu.memory_space<vmem>>
          %dma_wait3A_154 = tpu.memref_squeeze %dma_wait3A_153 : memref<1x128xi32, #tpu.memory_space<vmem>> -> memref<128xi32, #tpu.memory_space<vmem>>
          %dma_wait3A_155 = arith.constant 0 : i32
          %dma_wait3A_156 = arith.constant 0 : i32
          %dma_wait3A_157 = tpu.memref_slice %arg14[%dma_wait3A_155, %dma_wait3A_156] : memref<10240x16xf32, #tpu.memory_space<vmem_shared>> -> memref<10240x16xf32, #tpu.memory_space<vmem_shared>>
          tpu.wait_indirect_dma semaphore(%run_scoped3A_145 : memref<!tpu.dma_semaphore, #tpu.memory_space<semaphore_mem>>) src(%arg12 : memref<128x16xf32, #tpu.memory_space<vmem>>) dst(%dma_wait3A_157 : memref<10240x16xf32, #tpu.memory_space<vmem_shared>>)
          tpu.yield
        }) : () -> ()
      }
      %scan3A_87 = arith.constant 78 : i32
      %dma_start3A_88 = arith.constant 157 : i32
      %dma_start3A_89 = arith.constant 0 : i32
      %dma_start3A_90 = tpu.memref_slice %arg8[%dma_start3A_88, %dma_start3A_89] : memref<158x128xi32, #tpu.memory_space<vmem>> -> memref<1x128xi32, #tpu.memory_space<vmem>>
      %dma_start3A_91 = tpu.memref_squeeze %dma_start3A_90 : memref<1x128xi32, #tpu.memory_space<vmem>> -> memref<128xi32, #tpu.memory_space<vmem>>
      %dma_start3A_92 = arith.constant 0 : i32
      %dma_start3A_93 = arith.constant 0 : i32
      %dma_start3A_94 = tpu.memref_slice %arg3[%dma_start3A_92, %dma_start3A_93] : memref<10000x64xf32, #tpu.memory_space<hbm>> -> memref<10000x64xf32, #tpu.memory_space<hbm>>
      tpu.enqueue_indirect_dma source(%dma_start3A_94 : memref<10000x64xf32, #tpu.memory_space<hbm>>) target(%arg11 : memref<128x64xf32, #tpu.memory_space<vmem>>) offsets(%dma_start3A_91 : memref<128xi32, #tpu.memory_space<vmem>>) semaphore(%arg16 : memref<!tpu.dma_semaphore, #tpu.memory_space<semaphore_mem>>)
      %dma_wait3A = arith.constant 156 : i32
      %dma_wait3A_95 = arith.constant 0 : i32
      %dma_wait3A_96 = tpu.memref_slice %arg8[%dma_wait3A, %dma_wait3A_95] : memref<158x128xi32, #tpu.memory_space<vmem>> -> memref<1x128xi32, #tpu.memory_space<vmem>>
      %dma_wait3A_97 = tpu.memref_squeeze %dma_wait3A_96 : memref<1x128xi32, #tpu.memory_space<vmem>> -> memref<128xi32, #tpu.memory_space<vmem>>
      %dma_wait3A_98 = arith.constant 0 : i32
      %dma_wait3A_99 = arith.constant 0 : i32
      %dma_wait3A_100 = tpu.memref_slice %arg3[%dma_wait3A_98, %dma_wait3A_99] : memref<10000x64xf32, #tpu.memory_space<hbm>> -> memref<10000x64xf32, #tpu.memory_space<hbm>>
      tpu.wait_indirect_dma semaphore(%arg15 : memref<!tpu.dma_semaphore, #tpu.memory_space<semaphore_mem>>) src(%dma_wait3A_100 : memref<10000x64xf32, #tpu.memory_space<hbm>>) dst(%arg10 : memref<128x64xf32, #tpu.memory_space<vmem>>)
      %run_scoped3A = arith.constant 156 : i32
      "tpu.region"() ({
        %run_scoped3A_110 = tpu.sem_alloc : memref<!tpu.dma_semaphore, #tpu.memory_space<semaphore_mem>>
        %dma_start3A_111 = arith.constant 0 : i32
        %dma_start3A_112 = tpu.memref_slice %arg9[%run_scoped3A, %dma_start3A_111] : memref<158x128xi32, #tpu.memory_space<vmem>> -> memref<1x128xi32, #tpu.memory_space<vmem>>
        %dma_start3A_113 = tpu.memref_squeeze %dma_start3A_112 : memref<1x128xi32, #tpu.memory_space<vmem>> -> memref<128xi32, #tpu.memory_space<vmem>>
        %dma_start3A_114 = arith.constant 0 : i32
        %dma_start3A_115 = arith.constant 0 : i32
        %dma_start3A_116 = tpu.memref_slice %arg13[%dma_start3A_114, %dma_start3A_115] : memref<10240x64xf32, #tpu.memory_space<vmem_shared>> -> memref<10240x64xf32, #tpu.memory_space<vmem_shared>>
        tpu.enqueue_indirect_dma source(%arg10 : memref<128x64xf32, #tpu.memory_space<vmem>>) target(%dma_start3A_116 : memref<10240x64xf32, #tpu.memory_space<vmem_shared>>) offsets(%dma_start3A_113 : memref<128xi32, #tpu.memory_space<vmem>>) semaphore(%run_scoped3A_110 : memref<!tpu.dma_semaphore, #tpu.memory_space<semaphore_mem>>) {add = true}
        %dma_wait3A_117 = arith.constant 0 : i32
        %dma_wait3A_118 = tpu.memref_slice %arg9[%run_scoped3A, %dma_wait3A_117] : memref<158x128xi32, #tpu.memory_space<vmem>> -> memref<1x128xi32, #tpu.memory_space<vmem>>
        %dma_wait3A_119 = tpu.memref_squeeze %dma_wait3A_118 : memref<1x128xi32, #tpu.memory_space<vmem>> -> memref<128xi32, #tpu.memory_space<vmem>>
        %dma_wait3A_120 = arith.constant 0 : i32
        %dma_wait3A_121 = arith.constant 0 : i32
        %dma_wait3A_122 = tpu.memref_slice %arg13[%dma_wait3A_120, %dma_wait3A_121] : memref<10240x64xf32, #tpu.memory_space<vmem_shared>> -> memref<10240x64xf32, #tpu.memory_space<vmem_shared>>
        tpu.wait_indirect_dma semaphore(%run_scoped3A_110 : memref<!tpu.dma_semaphore, #tpu.memory_space<semaphore_mem>>) src(%arg10 : memref<128x64xf32, #tpu.memory_space<vmem>>) dst(%dma_wait3A_122 : memref<10240x64xf32, #tpu.memory_space<vmem_shared>>)
        tpu.yield
      }) : () -> ()
      %dma_wait3A_101 = arith.constant 157 : i32
      %dma_wait3A_102 = arith.constant 0 : i32
      %dma_wait3A_103 = tpu.memref_slice %arg8[%dma_wait3A_101, %dma_wait3A_102] : memref<158x128xi32, #tpu.memory_space<vmem>> -> memref<1x128xi32, #tpu.memory_space<vmem>>
      %dma_wait3A_104 = tpu.memref_squeeze %dma_wait3A_103 : memref<1x128xi32, #tpu.memory_space<vmem>> -> memref<128xi32, #tpu.memory_space<vmem>>
      %dma_wait3A_105 = arith.constant 0 : i32
      %dma_wait3A_106 = arith.constant 0 : i32
      %dma_wait3A_107 = tpu.memref_slice %arg3[%dma_wait3A_105, %dma_wait3A_106] : memref<10000x64xf32, #tpu.memory_space<hbm>> -> memref<10000x64xf32, #tpu.memory_space<hbm>>
      tpu.wait_indirect_dma semaphore(%arg16 : memref<!tpu.dma_semaphore, #tpu.memory_space<semaphore_mem>>) src(%dma_wait3A_107 : memref<10000x64xf32, #tpu.memory_space<hbm>>) dst(%arg11 : memref<128x64xf32, #tpu.memory_space<vmem>>)
      %run_scoped3A_108 = arith.constant 157 : i32
      "tpu.region"() ({
        %run_scoped3A_110 = tpu.sem_alloc : memref<!tpu.dma_semaphore, #tpu.memory_space<semaphore_mem>>
        %dma_start3A_111 = arith.constant 0 : i32
        %dma_start3A_112 = tpu.memref_slice %arg9[%run_scoped3A_108, %dma_start3A_111] : memref<158x128xi32, #tpu.memory_space<vmem>> -> memref<1x128xi32, #tpu.memory_space<vmem>>
        %dma_start3A_113 = tpu.memref_squeeze %dma_start3A_112 : memref<1x128xi32, #tpu.memory_space<vmem>> -> memref<128xi32, #tpu.memory_space<vmem>>
        %dma_start3A_114 = arith.constant 0 : i32
        %dma_start3A_115 = arith.constant 0 : i32
        %dma_start3A_116 = tpu.memref_slice %arg13[%dma_start3A_114, %dma_start3A_115] : memref<10240x64xf32, #tpu.memory_space<vmem_shared>> -> memref<10240x64xf32, #tpu.memory_space<vmem_shared>>
        tpu.enqueue_indirect_dma source(%arg11 : memref<128x64xf32, #tpu.memory_space<vmem>>) target(%dma_start3A_116 : memref<10240x64xf32, #tpu.memory_space<vmem_shared>>) offsets(%dma_start3A_113 : memref<128xi32, #tpu.memory_space<vmem>>) semaphore(%run_scoped3A_110 : memref<!tpu.dma_semaphore, #tpu.memory_space<semaphore_mem>>) {add = true}
        %dma_wait3A_117 = arith.constant 0 : i32
        %dma_wait3A_118 = tpu.memref_slice %arg9[%run_scoped3A_108, %dma_wait3A_117] : memref<158x128xi32, #tpu.memory_space<vmem>> -> memref<1x128xi32, #tpu.memory_space<vmem>>
        %dma_wait3A_119 = tpu.memref_squeeze %dma_wait3A_118 : memref<1x128xi32, #tpu.memory_space<vmem>> -> memref<128xi32, #tpu.memory_space<vmem>>
        %dma_wait3A_120 = arith.constant 0 : i32
        %dma_wait3A_121 = arith.constant 0 : i32
        %dma_wait3A_122 = tpu.memref_slice %arg13[%dma_wait3A_120, %dma_wait3A_121] : memref<10240x64xf32, #tpu.memory_space<vmem_shared>> -> memref<10240x64xf32, #tpu.memory_space<vmem_shared>>
        tpu.wait_indirect_dma semaphore(%run_scoped3A_110 : memref<!tpu.dma_semaphore, #tpu.memory_space<semaphore_mem>>) src(%arg11 : memref<128x64xf32, #tpu.memory_space<vmem>>) dst(%dma_wait3A_122 : memref<10240x64xf32, #tpu.memory_space<vmem_shared>>)
        tpu.yield
      }) : () -> ()
      %run_scoped3A_109 = arith.constant 157 : i32
      "tpu.region"() ({
        %run_scoped3A_110 = tpu.sem_alloc : memref<!tpu.dma_semaphore, #tpu.memory_space<semaphore_mem>>
        %dma_start3A_111 = arith.constant 0 : i32
        %dma_start3A_112 = tpu.memref_slice %arg9[%run_scoped3A_109, %dma_start3A_111] : memref<158x128xi32, #tpu.memory_space<vmem>> -> memref<1x128xi32, #tpu.memory_space<vmem>>
        %dma_start3A_113 = tpu.memref_squeeze %dma_start3A_112 : memref<1x128xi32, #tpu.memory_space<vmem>> -> memref<128xi32, #tpu.memory_space<vmem>>
        %dma_start3A_114 = arith.constant 0 : i32
        %dma_start3A_115 = arith.constant 0 : i32
        %dma_start3A_116 = tpu.memref_slice %arg14[%dma_start3A_114, %dma_start3A_115] : memref<10240x16xf32, #tpu.memory_space<vmem_shared>> -> memref<10240x16xf32, #tpu.memory_space<vmem_shared>>
        tpu.enqueue_indirect_dma source(%arg12 : memref<128x16xf32, #tpu.memory_space<vmem>>) target(%dma_start3A_116 : memref<10240x16xf32, #tpu.memory_space<vmem_shared>>) offsets(%dma_start3A_113 : memref<128xi32, #tpu.memory_space<vmem>>) semaphore(%run_scoped3A_110 : memref<!tpu.dma_semaphore, #tpu.memory_space<semaphore_mem>>) {add = true}
        %dma_wait3A_117 = arith.constant 0 : i32
        %dma_wait3A_118 = tpu.memref_slice %arg9[%run_scoped3A_109, %dma_wait3A_117] : memref<158x128xi32, #tpu.memory_space<vmem>> -> memref<1x128xi32, #tpu.memory_space<vmem>>
        %dma_wait3A_119 = tpu.memref_squeeze %dma_wait3A_118 : memref<1x128xi32, #tpu.memory_space<vmem>> -> memref<128xi32, #tpu.memory_space<vmem>>
        %dma_wait3A_120 = arith.constant 0 : i32
        %dma_wait3A_121 = arith.constant 0 : i32
        %dma_wait3A_122 = tpu.memref_slice %arg14[%dma_wait3A_120, %dma_wait3A_121] : memref<10240x16xf32, #tpu.memory_space<vmem_shared>> -> memref<10240x16xf32, #tpu.memory_space<vmem_shared>>
        tpu.wait_indirect_dma semaphore(%run_scoped3A_110 : memref<!tpu.dma_semaphore, #tpu.memory_space<semaphore_mem>>) src(%arg12 : memref<128x16xf32, #tpu.memory_space<vmem>>) dst(%dma_wait3A_122 : memref<10240x16xf32, #tpu.memory_space<vmem_shared>>)
        tpu.yield
      }) : () -> ()
    } else {
    }
    %barrier3A_67 = arith.constant 0 : index
    tpu.barrier barrier_id(%barrier3A_67)
    %mul3A_68 = arith.constant 640 : i32
    %mul3A_69 = arith.muli %arg1, %mul3A_68 : i32
    %mul3A_70 = arith.constant 640 : i32
    %mul3A_71 = arith.muli %arg1, %mul3A_70 : i32
    "tpu.region"() ({
      %run_scoped3A = tpu.sem_alloc : memref<!tpu.dma_semaphore, #tpu.memory_space<semaphore_mem>>
      %dma_start3A = arith.constant 0 : i32
      %dma_start3A_76 = tpu.memref_slice %arg6[%arg0, %mul3A_71, %dma_start3A] : memref<2x10240x64xf32, #tpu.memory_space<hbm>> -> memref<1x640x64xf32, #tpu.memory_space<hbm>>
      %dma_start3A_77 = tpu.memref_squeeze %dma_start3A_76 : memref<1x640x64xf32, #tpu.memory_space<hbm>> -> memref<640x64xf32, #tpu.memory_space<hbm>>
      %dma_start3A_78 = arith.constant 0 : i32
      %dma_start3A_79 = tpu.memref_slice %arg13[%mul3A_69, %dma_start3A_78] : memref<10240x64xf32, #tpu.memory_space<vmem_shared>> -> memref<640x64xf32, #tpu.memory_space<vmem_shared>>
      tpu.enqueue_dma source(%dma_start3A_79 : memref<640x64xf32, #tpu.memory_space<vmem_shared>>) target(%dma_start3A_77 : memref<640x64xf32, #tpu.memory_space<hbm>>) target_semaphore(%run_scoped3A : memref<!tpu.dma_semaphore, #tpu.memory_space<semaphore_mem>>)
      %dma_wait3A = arith.constant 0 : i32
      %dma_wait3A_80 = tpu.memref_slice %arg6[%arg0, %mul3A_71, %dma_wait3A] : memref<2x10240x64xf32, #tpu.memory_space<hbm>> -> memref<1x640x64xf32, #tpu.memory_space<hbm>>
      %dma_wait3A_81 = tpu.memref_squeeze %dma_wait3A_80 : memref<1x640x64xf32, #tpu.memory_space<hbm>> -> memref<640x64xf32, #tpu.memory_space<hbm>>
      %dma_wait3A_82 = arith.constant 0 : i32
      %dma_wait3A_83 = tpu.memref_slice %arg13[%mul3A_69, %dma_wait3A_82] : memref<10240x64xf32, #tpu.memory_space<vmem_shared>> -> memref<640x64xf32, #tpu.memory_space<vmem_shared>>
      tpu.wait_dma2 semaphore(%run_scoped3A : memref<!tpu.dma_semaphore, #tpu.memory_space<semaphore_mem>>) src(%dma_wait3A_83 : memref<640x64xf32, #tpu.memory_space<vmem_shared>>) dst(%dma_wait3A_81 : memref<640x64xf32, #tpu.memory_space<hbm>>)
      tpu.yield
    }) : () -> ()
    %mul3A_72 = arith.constant 640 : i32
    %mul3A_73 = arith.muli %arg1, %mul3A_72 : i32
    %mul3A_74 = arith.constant 640 : i32
    %mul3A_75 = arith.muli %arg1, %mul3A_74 : i32
    "tpu.region"() ({
      %run_scoped3A = tpu.sem_alloc : memref<!tpu.dma_semaphore, #tpu.memory_space<semaphore_mem>>
      %dma_start3A = arith.constant 0 : i32
      %dma_start3A_76 = tpu.memref_slice %arg7[%arg0, %mul3A_75, %dma_start3A] : memref<2x10240x16xf32, #tpu.memory_space<hbm>> -> memref<1x640x16xf32, #tpu.memory_space<hbm>>
      %dma_start3A_77 = tpu.memref_squeeze %dma_start3A_76 : memref<1x640x16xf32, #tpu.memory_space<hbm>> -> memref<640x16xf32, #tpu.memory_space<hbm>>
      %dma_start3A_78 = arith.constant 0 : i32
      %dma_start3A_79 = tpu.memref_slice %arg14[%mul3A_73, %dma_start3A_78] : memref<10240x16xf32, #tpu.memory_space<vmem_shared>> -> memref<640x16xf32, #tpu.memory_space<vmem_shared>>
      tpu.enqueue_dma source(%dma_start3A_79 : memref<640x16xf32, #tpu.memory_space<vmem_shared>>) target(%dma_start3A_77 : memref<640x16xf32, #tpu.memory_space<hbm>>) target_semaphore(%run_scoped3A : memref<!tpu.dma_semaphore, #tpu.memory_space<semaphore_mem>>)
      %dma_wait3A = arith.constant 0 : i32
      %dma_wait3A_80 = tpu.memref_slice %arg7[%arg0, %mul3A_75, %dma_wait3A] : memref<2x10240x16xf32, #tpu.memory_space<hbm>> -> memref<1x640x16xf32, #tpu.memory_space<hbm>>
      %dma_wait3A_81 = tpu.memref_squeeze %dma_wait3A_80 : memref<1x640x16xf32, #tpu.memory_space<hbm>> -> memref<640x16xf32, #tpu.memory_space<hbm>>
      %dma_wait3A_82 = arith.constant 0 : i32
      %dma_wait3A_83 = tpu.memref_slice %arg14[%mul3A_73, %dma_wait3A_82] : memref<10240x16xf32, #tpu.memory_space<vmem_shared>> -> memref<640x16xf32, #tpu.memory_space<vmem_shared>>
      tpu.wait_dma2 semaphore(%run_scoped3A : memref<!tpu.dma_semaphore, #tpu.memory_space<semaphore_mem>>) src(%dma_wait3A_83 : memref<640x16xf32, #tpu.memory_space<vmem_shared>>) dst(%dma_wait3A_81 : memref<640x16xf32, #tpu.memory_space<hbm>>)
      tpu.yield
    }) : () -> ()
    return
  }
}

#map = affine_map<(d0, d1) -> (0, 0)>
#map1 = affine_map<(d0, d1) -> (0, 0, 0)>
module attributes {stable_mosaic.version = 14 : i64} {
  func.func @_seg2_body(%arg0: i32, %arg1: i32, %arg2: memref<10240x48xf32, #tpu.memory_space<hbm>>, %arg3: memref<32x79x128xi32, #tpu.memory_space<hbm>>, %arg4: memref<32x79x128xi32, #tpu.memory_space<hbm>>, %arg5: memref<2x10240x48xf32, #tpu.memory_space<hbm>>, %arg6: memref<79x128xi32, #tpu.memory_space<vmem>>, %arg7: memref<79x128xi32, #tpu.memory_space<vmem>>, %arg8: memref<128x48xf32, #tpu.memory_space<vmem>>, %arg9: memref<128x48xf32, #tpu.memory_space<vmem>>, %arg10: memref<10240x48xf32, #tpu.memory_space<vmem_shared>>, %arg11: memref<!tpu.dma_semaphore, #tpu.memory_space<semaphore_mem>>, %arg12: memref<!tpu.dma_semaphore, #tpu.memory_space<semaphore_mem>>) attributes {dimension_semantics = [#tpu.dimension_semantics<core_parallel>, #tpu.dimension_semantics<subcore_parallel>], iteration_bounds = array<i64: 2, 16>, scalar_prefetch = 0 : i64, scratch_operands = 7 : i64, tpu.core_type = #tpu.core_type<sc_vector_subcore>, window_params = [{transform_indices = #map}, {transform_indices = #map1}, {transform_indices = #map1}, {transform_indices = #map1}]} {
    %mul3A = arith.constant 2 : i32
    %mul3A_0 = arith.muli %arg1, %mul3A : i32
    %add3A = arith.addi %mul3A_0, %arg0 : i32
    %broadcast_in_dim3A = arith.constant 0.000000e+00 : f32
    %broadcast_in_dim3A_1 = vector.broadcast %broadcast_in_dim3A : f32 to vector<16xf32>
    %scan3A = arith.constant 0 : i32
    %scan3A_2 = arith.constant 0 : i32
    %scan3A_3 = arith.constant 128 : i32
    %scan3A_4 = arith.addi %scan3A_2, %scan3A_3 : i32
    %scan3A_5 = arith.constant 1 : i32
    scf.for %scan3A_50 = %scan3A_2 to %scan3A_4 step %scan3A_5  : i32 {
      %swap3A = arith.index_cast %scan3A_50 : i32 to index
      %swap3A_51 = arith.constant 0 : index
      %swap3A_52 = tpu.vector_load %arg8[%swap3A, %swap3A_51] {strides = array<i32>} : memref<128x48xf32, #tpu.memory_space<vmem>>, vector<1x16xf32>,
      %swap3A_53 = vector.shape_cast %swap3A_52 : vector<1x16xf32> to vector<16xf32>
      %swap3A_54 = vector.shape_cast %broadcast_in_dim3A_1 : vector<16xf32> to vector<1x16xf32>
      tpu.vector_store %arg8[%swap3A, %swap3A_51], %swap3A_54 {strides = array<i32>} : memref<128x48xf32, #tpu.memory_space<vmem>>, vector<1x16xf32>,
      %swap3A_55 = arith.index_cast %scan3A_50 : i32 to index
      %swap3A_56 = arith.constant 16 : index
      %swap3A_57 = tpu.vector_load %arg8[%swap3A_55, %swap3A_56] {strides = array<i32>} : memref<128x48xf32, #tpu.memory_space<vmem>>, vector<1x16xf32>,
      %swap3A_58 = vector.shape_cast %swap3A_57 : vector<1x16xf32> to vector<16xf32>
      %swap3A_59 = vector.shape_cast %broadcast_in_dim3A_1 : vector<16xf32> to vector<1x16xf32>
      tpu.vector_store %arg8[%swap3A_55, %swap3A_56], %swap3A_59 {strides = array<i32>} : memref<128x48xf32, #tpu.memory_space<vmem>>, vector<1x16xf32>,
      %swap3A_60 = arith.index_cast %scan3A_50 : i32 to index
      %swap3A_61 = arith.constant 32 : index
      %swap3A_62 = tpu.vector_load %arg8[%swap3A_60, %swap3A_61] {strides = array<i32>} : memref<128x48xf32, #tpu.memory_space<vmem>>, vector<1x16xf32>,
      %swap3A_63 = vector.shape_cast %swap3A_62 : vector<1x16xf32> to vector<16xf32>
      %swap3A_64 = vector.shape_cast %broadcast_in_dim3A_1 : vector<16xf32> to vector<1x16xf32>
      tpu.vector_store %arg8[%swap3A_60, %swap3A_61], %swap3A_64 {strides = array<i32>} : memref<128x48xf32, #tpu.memory_space<vmem>>, vector<1x16xf32>,
    }
    %scan3A_6 = arith.constant 128 : i32
    %mul3A_7 = arith.constant 640 : i32
    %mul3A_8 = arith.muli %arg1, %mul3A_7 : i32
    %add3A_9 = arith.constant 0 : i32
    %add3A_10 = arith.addi %mul3A_8, %add3A_9 : i32
    "tpu.region"() ({
      %run_scoped3A_50 = tpu.sem_alloc : memref<!tpu.dma_semaphore, #tpu.memory_space<semaphore_mem>>
      %dma_start3A_51 = arith.constant 0 : i32
      %dma_start3A_52 = tpu.memref_slice %arg10[%add3A_10, %dma_start3A_51] : memref<10240x48xf32, #tpu.memory_space<vmem_shared>> -> memref<128x48xf32, #tpu.memory_space<vmem_shared>>
      %dma_start3A_53 = arith.constant 0 : i32
      %dma_start3A_54 = tpu.memref_slice %arg10[%add3A_10, %dma_start3A_53] : memref<10240x48xf32, #tpu.memory_space<vmem_shared>> -> memref<128x48xf32, #tpu.memory_space<vmem_shared>>
      tpu.enqueue_dma source(%arg8 : memref<128x48xf32, #tpu.memory_space<vmem>>) target(%dma_start3A_54 : memref<128x48xf32, #tpu.memory_space<vmem_shared>>) target_semaphore(%run_scoped3A_50 : memref<!tpu.dma_semaphore, #tpu.memory_space<semaphore_mem>>)
      %dma_wait3A_55 = arith.constant 0 : i32
      %dma_wait3A_56 = tpu.memref_slice %arg10[%add3A_10, %dma_wait3A_55] : memref<10240x48xf32, #tpu.memory_space<vmem_shared>> -> memref<128x48xf32, #tpu.memory_space<vmem_shared>>
      %dma_wait3A_57 = arith.constant 0 : i32
      %dma_wait3A_58 = tpu.memref_slice %arg10[%add3A_10, %dma_wait3A_57] : memref<10240x48xf32, #tpu.memory_space<vmem_shared>> -> memref<128x48xf32, #tpu.memory_space<vmem_shared>>
      tpu.wait_dma2 semaphore(%run_scoped3A_50 : memref<!tpu.dma_semaphore, #tpu.memory_space<semaphore_mem>>) src(%arg8 : memref<128x48xf32, #tpu.memory_space<vmem>>) dst(%dma_wait3A_58 : memref<128x48xf32, #tpu.memory_space<vmem_shared>>)
      tpu.yield
    }) : () -> ()
    %mul3A_11 = arith.constant 640 : i32
    %mul3A_12 = arith.muli %arg1, %mul3A_11 : i32
    %add3A_13 = arith.constant 128 : i32
    %add3A_14 = arith.addi %mul3A_12, %add3A_13 : i32
    "tpu.region"() ({
      %run_scoped3A_50 = tpu.sem_alloc : memref<!tpu.dma_semaphore, #tpu.memory_space<semaphore_mem>>
      %dma_start3A_51 = arith.constant 0 : i32
      %dma_start3A_52 = tpu.memref_slice %arg10[%add3A_14, %dma_start3A_51] : memref<10240x48xf32, #tpu.memory_space<vmem_shared>> -> memref<128x48xf32, #tpu.memory_space<vmem_shared>>
      %dma_start3A_53 = arith.constant 0 : i32
      %dma_start3A_54 = tpu.memref_slice %arg10[%add3A_14, %dma_start3A_53] : memref<10240x48xf32, #tpu.memory_space<vmem_shared>> -> memref<128x48xf32, #tpu.memory_space<vmem_shared>>
      tpu.enqueue_dma source(%arg8 : memref<128x48xf32, #tpu.memory_space<vmem>>) target(%dma_start3A_54 : memref<128x48xf32, #tpu.memory_space<vmem_shared>>) target_semaphore(%run_scoped3A_50 : memref<!tpu.dma_semaphore, #tpu.memory_space<semaphore_mem>>)
      %dma_wait3A_55 = arith.constant 0 : i32
      %dma_wait3A_56 = tpu.memref_slice %arg10[%add3A_14, %dma_wait3A_55] : memref<10240x48xf32, #tpu.memory_space<vmem_shared>> -> memref<128x48xf32, #tpu.memory_space<vmem_shared>>
      %dma_wait3A_57 = arith.constant 0 : i32
      %dma_wait3A_58 = tpu.memref_slice %arg10[%add3A_14, %dma_wait3A_57] : memref<10240x48xf32, #tpu.memory_space<vmem_shared>> -> memref<128x48xf32, #tpu.memory_space<vmem_shared>>
      tpu.wait_dma2 semaphore(%run_scoped3A_50 : memref<!tpu.dma_semaphore, #tpu.memory_space<semaphore_mem>>) src(%arg8 : memref<128x48xf32, #tpu.memory_space<vmem>>) dst(%dma_wait3A_58 : memref<128x48xf32, #tpu.memory_space<vmem_shared>>)
      tpu.yield
    }) : () -> ()
    %mul3A_15 = arith.constant 640 : i32
    %mul3A_16 = arith.muli %arg1, %mul3A_15 : i32
    %add3A_17 = arith.constant 256 : i32
    %add3A_18 = arith.addi %mul3A_16, %add3A_17 : i32
    "tpu.region"() ({
      %run_scoped3A_50 = tpu.sem_alloc : memref<!tpu.dma_semaphore, #tpu.memory_space<semaphore_mem>>
      %dma_start3A_51 = arith.constant 0 : i32
      %dma_start3A_52 = tpu.memref_slice %arg10[%add3A_18, %dma_start3A_51] : memref<10240x48xf32, #tpu.memory_space<vmem_shared>> -> memref<128x48xf32, #tpu.memory_space<vmem_shared>>
      %dma_start3A_53 = arith.constant 0 : i32
      %dma_start3A_54 = tpu.memref_slice %arg10[%add3A_18, %dma_start3A_53] : memref<10240x48xf32, #tpu.memory_space<vmem_shared>> -> memref<128x48xf32, #tpu.memory_space<vmem_shared>>
      tpu.enqueue_dma source(%arg8 : memref<128x48xf32, #tpu.memory_space<vmem>>) target(%dma_start3A_54 : memref<128x48xf32, #tpu.memory_space<vmem_shared>>) target_semaphore(%run_scoped3A_50 : memref<!tpu.dma_semaphore, #tpu.memory_space<semaphore_mem>>)
      %dma_wait3A_55 = arith.constant 0 : i32
      %dma_wait3A_56 = tpu.memref_slice %arg10[%add3A_18, %dma_wait3A_55] : memref<10240x48xf32, #tpu.memory_space<vmem_shared>> -> memref<128x48xf32, #tpu.memory_space<vmem_shared>>
      %dma_wait3A_57 = arith.constant 0 : i32
      %dma_wait3A_58 = tpu.memref_slice %arg10[%add3A_18, %dma_wait3A_57] : memref<10240x48xf32, #tpu.memory_space<vmem_shared>> -> memref<128x48xf32, #tpu.memory_space<vmem_shared>>
      tpu.wait_dma2 semaphore(%run_scoped3A_50 : memref<!tpu.dma_semaphore, #tpu.memory_space<semaphore_mem>>) src(%arg8 : memref<128x48xf32, #tpu.memory_space<vmem>>) dst(%dma_wait3A_58 : memref<128x48xf32, #tpu.memory_space<vmem_shared>>)
      tpu.yield
    }) : () -> ()
    %mul3A_19 = arith.constant 640 : i32
    %mul3A_20 = arith.muli %arg1, %mul3A_19 : i32
    %add3A_21 = arith.constant 384 : i32
    %add3A_22 = arith.addi %mul3A_20, %add3A_21 : i32
    "tpu.region"() ({
      %run_scoped3A_50 = tpu.sem_alloc : memref<!tpu.dma_semaphore, #tpu.memory_space<semaphore_mem>>
      %dma_start3A_51 = arith.constant 0 : i32
      %dma_start3A_52 = tpu.memref_slice %arg10[%add3A_22, %dma_start3A_51] : memref<10240x48xf32, #tpu.memory_space<vmem_shared>> -> memref<128x48xf32, #tpu.memory_space<vmem_shared>>
      %dma_start3A_53 = arith.constant 0 : i32
      %dma_start3A_54 = tpu.memref_slice %arg10[%add3A_22, %dma_start3A_53] : memref<10240x48xf32, #tpu.memory_space<vmem_shared>> -> memref<128x48xf32, #tpu.memory_space<vmem_shared>>
      tpu.enqueue_dma source(%arg8 : memref<128x48xf32, #tpu.memory_space<vmem>>) target(%dma_start3A_54 : memref<128x48xf32, #tpu.memory_space<vmem_shared>>) target_semaphore(%run_scoped3A_50 : memref<!tpu.dma_semaphore, #tpu.memory_space<semaphore_mem>>)
      %dma_wait3A_55 = arith.constant 0 : i32
      %dma_wait3A_56 = tpu.memref_slice %arg10[%add3A_22, %dma_wait3A_55] : memref<10240x48xf32, #tpu.memory_space<vmem_shared>> -> memref<128x48xf32, #tpu.memory_space<vmem_shared>>
      %dma_wait3A_57 = arith.constant 0 : i32
      %dma_wait3A_58 = tpu.memref_slice %arg10[%add3A_22, %dma_wait3A_57] : memref<10240x48xf32, #tpu.memory_space<vmem_shared>> -> memref<128x48xf32, #tpu.memory_space<vmem_shared>>
      tpu.wait_dma2 semaphore(%run_scoped3A_50 : memref<!tpu.dma_semaphore, #tpu.memory_space<semaphore_mem>>) src(%arg8 : memref<128x48xf32, #tpu.memory_space<vmem>>) dst(%dma_wait3A_58 : memref<128x48xf32, #tpu.memory_space<vmem_shared>>)
      tpu.yield
    }) : () -> ()
    %mul3A_23 = arith.constant 640 : i32
    %mul3A_24 = arith.muli %arg1, %mul3A_23 : i32
    %add3A_25 = arith.constant 512 : i32
    %add3A_26 = arith.addi %mul3A_24, %add3A_25 : i32
    "tpu.region"() ({
      %run_scoped3A_50 = tpu.sem_alloc : memref<!tpu.dma_semaphore, #tpu.memory_space<semaphore_mem>>
      %dma_start3A_51 = arith.constant 0 : i32
      %dma_start3A_52 = tpu.memref_slice %arg10[%add3A_26, %dma_start3A_51] : memref<10240x48xf32, #tpu.memory_space<vmem_shared>> -> memref<128x48xf32, #tpu.memory_space<vmem_shared>>
      %dma_start3A_53 = arith.constant 0 : i32
      %dma_start3A_54 = tpu.memref_slice %arg10[%add3A_26, %dma_start3A_53] : memref<10240x48xf32, #tpu.memory_space<vmem_shared>> -> memref<128x48xf32, #tpu.memory_space<vmem_shared>>
      tpu.enqueue_dma source(%arg8 : memref<128x48xf32, #tpu.memory_space<vmem>>) target(%dma_start3A_54 : memref<128x48xf32, #tpu.memory_space<vmem_shared>>) target_semaphore(%run_scoped3A_50 : memref<!tpu.dma_semaphore, #tpu.memory_space<semaphore_mem>>)
      %dma_wait3A_55 = arith.constant 0 : i32
      %dma_wait3A_56 = tpu.memref_slice %arg10[%add3A_26, %dma_wait3A_55] : memref<10240x48xf32, #tpu.memory_space<vmem_shared>> -> memref<128x48xf32, #tpu.memory_space<vmem_shared>>
      %dma_wait3A_57 = arith.constant 0 : i32
      %dma_wait3A_58 = tpu.memref_slice %arg10[%add3A_26, %dma_wait3A_57] : memref<10240x48xf32, #tpu.memory_space<vmem_shared>> -> memref<128x48xf32, #tpu.memory_space<vmem_shared>>
      tpu.wait_dma2 semaphore(%run_scoped3A_50 : memref<!tpu.dma_semaphore, #tpu.memory_space<semaphore_mem>>) src(%arg8 : memref<128x48xf32, #tpu.memory_space<vmem>>) dst(%dma_wait3A_58 : memref<128x48xf32, #tpu.memory_space<vmem_shared>>)
      tpu.yield
    }) : () -> ()
    "tpu.region"() ({
      %run_scoped3A_50 = tpu.sem_alloc : memref<!tpu.dma_semaphore, #tpu.memory_space<semaphore_mem>>
      %dma_start3A_51 = arith.constant 0 : i32
      %dma_start3A_52 = arith.constant 0 : i32
      %dma_start3A_53 = tpu.memref_slice %arg3[%add3A, %dma_start3A_51, %dma_start3A_52] : memref<32x79x128xi32, #tpu.memory_space<hbm>> -> memref<1x79x128xi32, #tpu.memory_space<hbm>>
      %dma_start3A_54 = tpu.memref_squeeze %dma_start3A_53 : memref<1x79x128xi32, #tpu.memory_space<hbm>> -> memref<79x128xi32, #tpu.memory_space<hbm>>
      %dma_start3A_55 = arith.constant 0 : i32
      %dma_start3A_56 = arith.constant 0 : i32
      %dma_start3A_57 = tpu.memref_slice %arg3[%add3A, %dma_start3A_55, %dma_start3A_56] : memref<32x79x128xi32, #tpu.memory_space<hbm>> -> memref<1x79x128xi32, #tpu.memory_space<hbm>>
      %dma_start3A_58 = tpu.memref_squeeze %dma_start3A_57 : memref<1x79x128xi32, #tpu.memory_space<hbm>> -> memref<79x128xi32, #tpu.memory_space<hbm>>
      tpu.enqueue_dma source(%dma_start3A_58 : memref<79x128xi32, #tpu.memory_space<hbm>>) target(%arg6 : memref<79x128xi32, #tpu.memory_space<vmem>>) target_semaphore(%run_scoped3A_50 : memref<!tpu.dma_semaphore, #tpu.memory_space<semaphore_mem>>)
      %dma_wait3A_59 = arith.constant 0 : i32
      %dma_wait3A_60 = arith.constant 0 : i32
      %dma_wait3A_61 = tpu.memref_slice %arg3[%add3A, %dma_wait3A_59, %dma_wait3A_60] : memref<32x79x128xi32, #tpu.memory_space<hbm>> -> memref<1x79x128xi32, #tpu.memory_space<hbm>>
      %dma_wait3A_62 = tpu.memref_squeeze %dma_wait3A_61 : memref<1x79x128xi32, #tpu.memory_space<hbm>> -> memref<79x128xi32, #tpu.memory_space<hbm>>
      %dma_wait3A_63 = arith.constant 0 : i32
      %dma_wait3A_64 = arith.constant 0 : i32
      %dma_wait3A_65 = tpu.memref_slice %arg3[%add3A, %dma_wait3A_63, %dma_wait3A_64] : memref<32x79x128xi32, #tpu.memory_space<hbm>> -> memref<1x79x128xi32, #tpu.memory_space<hbm>>
      %dma_wait3A_66 = tpu.memref_squeeze %dma_wait3A_65 : memref<1x79x128xi32, #tpu.memory_space<hbm>> -> memref<79x128xi32, #tpu.memory_space<hbm>>
      tpu.wait_dma2 semaphore(%run_scoped3A_50 : memref<!tpu.dma_semaphore, #tpu.memory_space<semaphore_mem>>) src(%dma_wait3A_66 : memref<79x128xi32, #tpu.memory_space<hbm>>) dst(%arg6 : memref<79x128xi32, #tpu.memory_space<vmem>>)
      tpu.yield
    }) : () -> ()
    "tpu.region"() ({
      %run_scoped3A_50 = tpu.sem_alloc : memref<!tpu.dma_semaphore, #tpu.memory_space<semaphore_mem>>
      %dma_start3A_51 = arith.constant 0 : i32
      %dma_start3A_52 = arith.constant 0 : i32
      %dma_start3A_53 = tpu.memref_slice %arg4[%add3A, %dma_start3A_51, %dma_start3A_52] : memref<32x79x128xi32, #tpu.memory_space<hbm>> -> memref<1x79x128xi32, #tpu.memory_space<hbm>>
      %dma_start3A_54 = tpu.memref_squeeze %dma_start3A_53 : memref<1x79x128xi32, #tpu.memory_space<hbm>> -> memref<79x128xi32, #tpu.memory_space<hbm>>
      %dma_start3A_55 = arith.constant 0 : i32
      %dma_start3A_56 = arith.constant 0 : i32
      %dma_start3A_57 = tpu.memref_slice %arg4[%add3A, %dma_start3A_55, %dma_start3A_56] : memref<32x79x128xi32, #tpu.memory_space<hbm>> -> memref<1x79x128xi32, #tpu.memory_space<hbm>>
      %dma_start3A_58 = tpu.memref_squeeze %dma_start3A_57 : memref<1x79x128xi32, #tpu.memory_space<hbm>> -> memref<79x128xi32, #tpu.memory_space<hbm>>
      tpu.enqueue_dma source(%dma_start3A_58 : memref<79x128xi32, #tpu.memory_space<hbm>>) target(%arg7 : memref<79x128xi32, #tpu.memory_space<vmem>>) target_semaphore(%run_scoped3A_50 : memref<!tpu.dma_semaphore, #tpu.memory_space<semaphore_mem>>)
      %dma_wait3A_59 = arith.constant 0 : i32
      %dma_wait3A_60 = arith.constant 0 : i32
      %dma_wait3A_61 = tpu.memref_slice %arg4[%add3A, %dma_wait3A_59, %dma_wait3A_60] : memref<32x79x128xi32, #tpu.memory_space<hbm>> -> memref<1x79x128xi32, #tpu.memory_space<hbm>>
      %dma_wait3A_62 = tpu.memref_squeeze %dma_wait3A_61 : memref<1x79x128xi32, #tpu.memory_space<hbm>> -> memref<79x128xi32, #tpu.memory_space<hbm>>
      %dma_wait3A_63 = arith.constant 0 : i32
      %dma_wait3A_64 = arith.constant 0 : i32
      %dma_wait3A_65 = tpu.memref_slice %arg4[%add3A, %dma_wait3A_63, %dma_wait3A_64] : memref<32x79x128xi32, #tpu.memory_space<hbm>> -> memref<1x79x128xi32, #tpu.memory_space<hbm>>
      %dma_wait3A_66 = tpu.memref_squeeze %dma_wait3A_65 : memref<1x79x128xi32, #tpu.memory_space<hbm>> -> memref<79x128xi32, #tpu.memory_space<hbm>>
      tpu.wait_dma2 semaphore(%run_scoped3A_50 : memref<!tpu.dma_semaphore, #tpu.memory_space<semaphore_mem>>) src(%dma_wait3A_66 : memref<79x128xi32, #tpu.memory_space<hbm>>) dst(%arg7 : memref<79x128xi32, #tpu.memory_space<vmem>>)
      tpu.yield
    }) : () -> ()
    %barrier3A = arith.constant 0 : index
    tpu.barrier barrier_id(%barrier3A)
    %dma_start3A = arith.constant 0 : i32
    %dma_start3A_27 = arith.constant 0 : i32
    %dma_start3A_28 = tpu.memref_slice %arg6[%dma_start3A, %dma_start3A_27] : memref<79x128xi32, #tpu.memory_space<vmem>> -> memref<1x128xi32, #tpu.memory_space<vmem>>
    %dma_start3A_29 = tpu.memref_squeeze %dma_start3A_28 : memref<1x128xi32, #tpu.memory_space<vmem>> -> memref<128xi32, #tpu.memory_space<vmem>>
    %dma_start3A_30 = arith.constant 0 : i32
    %dma_start3A_31 = arith.constant 0 : i32
    %dma_start3A_32 = tpu.memref_slice %arg2[%dma_start3A_30, %dma_start3A_31] : memref<10240x48xf32, #tpu.memory_space<hbm>> -> memref<10240x48xf32, #tpu.memory_space<hbm>>
    tpu.enqueue_indirect_dma source(%dma_start3A_32 : memref<10240x48xf32, #tpu.memory_space<hbm>>) target(%arg8 : memref<128x48xf32, #tpu.memory_space<vmem>>) offsets(%dma_start3A_29 : memref<128xi32, #tpu.memory_space<vmem>>) semaphore(%arg11 : memref<!tpu.dma_semaphore, #tpu.memory_space<semaphore_mem>>)
    %scan3A_33 = arith.constant 0 : i32
    %scan3A_34 = arith.constant 0 : i32
    %scan3A_35 = arith.constant 39 : i32
    %scan3A_36 = arith.addi %scan3A_34, %scan3A_35 : i32
    %scan3A_37 = arith.constant 1 : i32
    scf.for %scan3A_50 = %scan3A_34 to %scan3A_36 step %scan3A_37  : i32 {
      %mul3A_51 = arith.constant 2 : i32
      %mul3A_52 = arith.muli %mul3A_51, %scan3A_50 : i32
      %add3A_53 = arith.constant 1 : i32
      %add3A_54 = arith.addi %mul3A_52, %add3A_53 : i32
      %dma_start3A_55 = arith.constant 0 : i32
      %dma_start3A_56 = tpu.memref_slice %arg6[%add3A_54, %dma_start3A_55] : memref<79x128xi32, #tpu.memory_space<vmem>> -> memref<1x128xi32, #tpu.memory_space<vmem>>
      %dma_start3A_57 = tpu.memref_squeeze %dma_start3A_56 : memref<1x128xi32, #tpu.memory_space<vmem>> -> memref<128xi32, #tpu.memory_space<vmem>>
      %dma_start3A_58 = arith.constant 0 : i32
      %dma_start3A_59 = arith.constant 0 : i32
      %dma_start3A_60 = tpu.memref_slice %arg2[%dma_start3A_58, %dma_start3A_59] : memref<10240x48xf32, #tpu.memory_space<hbm>> -> memref<10240x48xf32, #tpu.memory_space<hbm>>
      tpu.enqueue_indirect_dma source(%dma_start3A_60 : memref<10240x48xf32, #tpu.memory_space<hbm>>) target(%arg9 : memref<128x48xf32, #tpu.memory_space<vmem>>) offsets(%dma_start3A_57 : memref<128xi32, #tpu.memory_space<vmem>>) semaphore(%arg12 : memref<!tpu.dma_semaphore, #tpu.memory_space<semaphore_mem>>)
      %dma_wait3A_61 = arith.constant 0 : i32
      %dma_wait3A_62 = tpu.memref_slice %arg6[%mul3A_52, %dma_wait3A_61] : memref<79x128xi32, #tpu.memory_space<vmem>> -> memref<1x128xi32, #tpu.memory_space<vmem>>
      %dma_wait3A_63 = tpu.memref_squeeze %dma_wait3A_62 : memref<1x128xi32, #tpu.memory_space<vmem>> -> memref<128xi32, #tpu.memory_space<vmem>>
      %dma_wait3A_64 = arith.constant 0 : i32
      %dma_wait3A_65 = arith.constant 0 : i32
      %dma_wait3A_66 = tpu.memref_slice %arg2[%dma_wait3A_64, %dma_wait3A_65] : memref<10240x48xf32, #tpu.memory_space<hbm>> -> memref<10240x48xf32, #tpu.memory_space<hbm>>
      tpu.wait_indirect_dma semaphore(%arg11 : memref<!tpu.dma_semaphore, #tpu.memory_space<semaphore_mem>>) src(%dma_wait3A_66 : memref<10240x48xf32, #tpu.memory_space<hbm>>) dst(%arg8 : memref<128x48xf32, #tpu.memory_space<vmem>>)
      "tpu.region"() ({
        %run_scoped3A_85 = tpu.sem_alloc : memref<!tpu.dma_semaphore, #tpu.memory_space<semaphore_mem>>
        %dma_start3A_86 = arith.constant 0 : i32
        %dma_start3A_87 = tpu.memref_slice %arg7[%mul3A_52, %dma_start3A_86] : memref<79x128xi32, #tpu.memory_space<vmem>> -> memref<1x128xi32, #tpu.memory_space<vmem>>
        %dma_start3A_88 = tpu.memref_squeeze %dma_start3A_87 : memref<1x128xi32, #tpu.memory_space<vmem>> -> memref<128xi32, #tpu.memory_space<vmem>>
        %dma_start3A_89 = arith.constant 0 : i32
        %dma_start3A_90 = arith.constant 0 : i32
        %dma_start3A_91 = tpu.memref_slice %arg10[%dma_start3A_89, %dma_start3A_90] : memref<10240x48xf32, #tpu.memory_space<vmem_shared>> -> memref<10240x48xf32, #tpu.memory_space<vmem_shared>>
        tpu.enqueue_indirect_dma source(%arg8 : memref<128x48xf32, #tpu.memory_space<vmem>>) target(%dma_start3A_91 : memref<10240x48xf32, #tpu.memory_space<vmem_shared>>) offsets(%dma_start3A_88 : memref<128xi32, #tpu.memory_space<vmem>>) semaphore(%run_scoped3A_85 : memref<!tpu.dma_semaphore, #tpu.memory_space<semaphore_mem>>) {add = true}
        %dma_wait3A_92 = arith.constant 0 : i32
        %dma_wait3A_93 = tpu.memref_slice %arg7[%mul3A_52, %dma_wait3A_92] : memref<79x128xi32, #tpu.memory_space<vmem>> -> memref<1x128xi32, #tpu.memory_space<vmem>>
        %dma_wait3A_94 = tpu.memref_squeeze %dma_wait3A_93 : memref<1x128xi32, #tpu.memory_space<vmem>> -> memref<128xi32, #tpu.memory_space<vmem>>
        %dma_wait3A_95 = arith.constant 0 : i32
        %dma_wait3A_96 = arith.constant 0 : i32
        %dma_wait3A_97 = tpu.memref_slice %arg10[%dma_wait3A_95, %dma_wait3A_96] : memref<10240x48xf32, #tpu.memory_space<vmem_shared>> -> memref<10240x48xf32, #tpu.memory_space<vmem_shared>>
        tpu.wait_indirect_dma semaphore(%run_scoped3A_85 : memref<!tpu.dma_semaphore, #tpu.memory_space<semaphore_mem>>) src(%arg8 : memref<128x48xf32, #tpu.memory_space<vmem>>) dst(%dma_wait3A_97 : memref<10240x48xf32, #tpu.memory_space<vmem_shared>>)
        tpu.yield
      }) : () -> ()
      %add3A_67 = arith.constant 2 : i32
      %add3A_68 = arith.addi %mul3A_52, %add3A_67 : i32
      %dma_start3A_69 = arith.constant 0 : i32
      %dma_start3A_70 = tpu.memref_slice %arg6[%add3A_68, %dma_start3A_69] : memref<79x128xi32, #tpu.memory_space<vmem>> -> memref<1x128xi32, #tpu.memory_space<vmem>>
      %dma_start3A_71 = tpu.memref_squeeze %dma_start3A_70 : memref<1x128xi32, #tpu.memory_space<vmem>> -> memref<128xi32, #tpu.memory_space<vmem>>
      %dma_start3A_72 = arith.constant 0 : i32
      %dma_start3A_73 = arith.constant 0 : i32
      %dma_start3A_74 = tpu.memref_slice %arg2[%dma_start3A_72, %dma_start3A_73] : memref<10240x48xf32, #tpu.memory_space<hbm>> -> memref<10240x48xf32, #tpu.memory_space<hbm>>
      tpu.enqueue_indirect_dma source(%dma_start3A_74 : memref<10240x48xf32, #tpu.memory_space<hbm>>) target(%arg8 : memref<128x48xf32, #tpu.memory_space<vmem>>) offsets(%dma_start3A_71 : memref<128xi32, #tpu.memory_space<vmem>>) semaphore(%arg11 : memref<!tpu.dma_semaphore, #tpu.memory_space<semaphore_mem>>)
      %add3A_75 = arith.constant 1 : i32
      %add3A_76 = arith.addi %mul3A_52, %add3A_75 : i32
      %dma_wait3A_77 = arith.constant 0 : i32
      %dma_wait3A_78 = tpu.memref_slice %arg6[%add3A_76, %dma_wait3A_77] : memref<79x128xi32, #tpu.memory_space<vmem>> -> memref<1x128xi32, #tpu.memory_space<vmem>>
      %dma_wait3A_79 = tpu.memref_squeeze %dma_wait3A_78 : memref<1x128xi32, #tpu.memory_space<vmem>> -> memref<128xi32, #tpu.memory_space<vmem>>
      %dma_wait3A_80 = arith.constant 0 : i32
      %dma_wait3A_81 = arith.constant 0 : i32
      %dma_wait3A_82 = tpu.memref_slice %arg2[%dma_wait3A_80, %dma_wait3A_81] : memref<10240x48xf32, #tpu.memory_space<hbm>> -> memref<10240x48xf32, #tpu.memory_space<hbm>>
      tpu.wait_indirect_dma semaphore(%arg12 : memref<!tpu.dma_semaphore, #tpu.memory_space<semaphore_mem>>) src(%dma_wait3A_82 : memref<10240x48xf32, #tpu.memory_space<hbm>>) dst(%arg9 : memref<128x48xf32, #tpu.memory_space<vmem>>)
      %add3A_83 = arith.constant 1 : i32
      %add3A_84 = arith.addi %mul3A_52, %add3A_83 : i32
      "tpu.region"() ({
        %run_scoped3A_85 = tpu.sem_alloc : memref<!tpu.dma_semaphore, #tpu.memory_space<semaphore_mem>>
        %dma_start3A_86 = arith.constant 0 : i32
        %dma_start3A_87 = tpu.memref_slice %arg7[%add3A_84, %dma_start3A_86] : memref<79x128xi32, #tpu.memory_space<vmem>> -> memref<1x128xi32, #tpu.memory_space<vmem>>
        %dma_start3A_88 = tpu.memref_squeeze %dma_start3A_87 : memref<1x128xi32, #tpu.memory_space<vmem>> -> memref<128xi32, #tpu.memory_space<vmem>>
        %dma_start3A_89 = arith.constant 0 : i32
        %dma_start3A_90 = arith.constant 0 : i32
        %dma_start3A_91 = tpu.memref_slice %arg10[%dma_start3A_89, %dma_start3A_90] : memref<10240x48xf32, #tpu.memory_space<vmem_shared>> -> memref<10240x48xf32, #tpu.memory_space<vmem_shared>>
        tpu.enqueue_indirect_dma source(%arg9 : memref<128x48xf32, #tpu.memory_space<vmem>>) target(%dma_start3A_91 : memref<10240x48xf32, #tpu.memory_space<vmem_shared>>) offsets(%dma_start3A_88 : memref<128xi32, #tpu.memory_space<vmem>>) semaphore(%run_scoped3A_85 : memref<!tpu.dma_semaphore, #tpu.memory_space<semaphore_mem>>) {add = true}
        %dma_wait3A_92 = arith.constant 0 : i32
        %dma_wait3A_93 = tpu.memref_slice %arg7[%add3A_84, %dma_wait3A_92] : memref<79x128xi32, #tpu.memory_space<vmem>> -> memref<1x128xi32, #tpu.memory_space<vmem>>
        %dma_wait3A_94 = tpu.memref_squeeze %dma_wait3A_93 : memref<1x128xi32, #tpu.memory_space<vmem>> -> memref<128xi32, #tpu.memory_space<vmem>>
        %dma_wait3A_95 = arith.constant 0 : i32
        %dma_wait3A_96 = arith.constant 0 : i32
        %dma_wait3A_97 = tpu.memref_slice %arg10[%dma_wait3A_95, %dma_wait3A_96] : memref<10240x48xf32, #tpu.memory_space<vmem_shared>> -> memref<10240x48xf32, #tpu.memory_space<vmem_shared>>
        tpu.wait_indirect_dma semaphore(%run_scoped3A_85 : memref<!tpu.dma_semaphore, #tpu.memory_space<semaphore_mem>>) src(%arg9 : memref<128x48xf32, #tpu.memory_space<vmem>>) dst(%dma_wait3A_97 : memref<10240x48xf32, #tpu.memory_space<vmem_shared>>)
        tpu.yield
      }) : () -> ()
    }
    %scan3A_38 = arith.constant 39 : i32
    %dma_wait3A = arith.constant 78 : i32
    %dma_wait3A_39 = arith.constant 0 : i32
    %dma_wait3A_40 = tpu.memref_slice %arg6[%dma_wait3A, %dma_wait3A_39] : memref<79x128xi32, #tpu.memory_space<vmem>> -> memref<1x128xi32, #tpu.memory_space<vmem>>
    %dma_wait3A_41 = tpu.memref_squeeze %dma_wait3A_40 : memref<1x128xi32, #tpu.memory_space<vmem>> -> memref<128xi32, #tpu.memory_space<vmem>>
    %dma_wait3A_42 = arith.constant 0 : i32
    %dma_wait3A_43 = arith.constant 0 : i32
    %dma_wait3A_44 = tpu.memref_slice %arg2[%dma_wait3A_42, %dma_wait3A_43] : memref<10240x48xf32, #tpu.memory_space<hbm>> -> memref<10240x48xf32, #tpu.memory_space<hbm>>
    tpu.wait_indirect_dma semaphore(%arg11 : memref<!tpu.dma_semaphore, #tpu.memory_space<semaphore_mem>>) src(%dma_wait3A_44 : memref<10240x48xf32, #tpu.memory_space<hbm>>) dst(%arg8 : memref<128x48xf32, #tpu.memory_space<vmem>>)
    %run_scoped3A = arith.constant 78 : i32
    "tpu.region"() ({
      %run_scoped3A_50 = tpu.sem_alloc : memref<!tpu.dma_semaphore, #tpu.memory_space<semaphore_mem>>
      %dma_start3A_51 = arith.constant 0 : i32
      %dma_start3A_52 = tpu.memref_slice %arg7[%run_scoped3A, %dma_start3A_51] : memref<79x128xi32, #tpu.memory_space<vmem>> -> memref<1x128xi32, #tpu.memory_space<vmem>>
      %dma_start3A_53 = tpu.memref_squeeze %dma_start3A_52 : memref<1x128xi32, #tpu.memory_space<vmem>> -> memref<128xi32, #tpu.memory_space<vmem>>
      %dma_start3A_54 = arith.constant 0 : i32
      %dma_start3A_55 = arith.constant 0 : i32
      %dma_start3A_56 = tpu.memref_slice %arg10[%dma_start3A_54, %dma_start3A_55] : memref<10240x48xf32, #tpu.memory_space<vmem_shared>> -> memref<10240x48xf32, #tpu.memory_space<vmem_shared>>
      tpu.enqueue_indirect_dma source(%arg8 : memref<128x48xf32, #tpu.memory_space<vmem>>) target(%dma_start3A_56 : memref<10240x48xf32, #tpu.memory_space<vmem_shared>>) offsets(%dma_start3A_53 : memref<128xi32, #tpu.memory_space<vmem>>) semaphore(%run_scoped3A_50 : memref<!tpu.dma_semaphore, #tpu.memory_space<semaphore_mem>>) {add = true}
      %dma_wait3A_57 = arith.constant 0 : i32
      %dma_wait3A_58 = tpu.memref_slice %arg7[%run_scoped3A, %dma_wait3A_57] : memref<79x128xi32, #tpu.memory_space<vmem>> -> memref<1x128xi32, #tpu.memory_space<vmem>>
      %dma_wait3A_59 = tpu.memref_squeeze %dma_wait3A_58 : memref<1x128xi32, #tpu.memory_space<vmem>> -> memref<128xi32, #tpu.memory_space<vmem>>
      %dma_wait3A_60 = arith.constant 0 : i32
      %dma_wait3A_61 = arith.constant 0 : i32
      %dma_wait3A_62 = tpu.memref_slice %arg10[%dma_wait3A_60, %dma_wait3A_61] : memref<10240x48xf32, #tpu.memory_space<vmem_shared>> -> memref<10240x48xf32, #tpu.memory_space<vmem_shared>>
      tpu.wait_indirect_dma semaphore(%run_scoped3A_50 : memref<!tpu.dma_semaphore, #tpu.memory_space<semaphore_mem>>) src(%arg8 : memref<128x48xf32, #tpu.memory_space<vmem>>) dst(%dma_wait3A_62 : memref<10240x48xf32, #tpu.memory_space<vmem_shared>>)
      tpu.yield
    }) : () -> ()
    %barrier3A_45 = arith.constant 0 : index
    tpu.barrier barrier_id(%barrier3A_45)
    %mul3A_46 = arith.constant 640 : i32
    %mul3A_47 = arith.muli %arg1, %mul3A_46 : i32
    %mul3A_48 = arith.constant 640 : i32
    %mul3A_49 = arith.muli %arg1, %mul3A_48 : i32
    "tpu.region"() ({
      %run_scoped3A_50 = tpu.sem_alloc : memref<!tpu.dma_semaphore, #tpu.memory_space<semaphore_mem>>
      %dma_start3A_51 = arith.constant 0 : i32
      %dma_start3A_52 = tpu.memref_slice %arg5[%arg0, %mul3A_49, %dma_start3A_51] : memref<2x10240x48xf32, #tpu.memory_space<hbm>> -> memref<1x640x48xf32, #tpu.memory_space<hbm>>
      %dma_start3A_53 = tpu.memref_squeeze %dma_start3A_52 : memref<1x640x48xf32, #tpu.memory_space<hbm>> -> memref<640x48xf32, #tpu.memory_space<hbm>>
      %dma_start3A_54 = arith.constant 0 : i32
      %dma_start3A_55 = tpu.memref_slice %arg10[%mul3A_47, %dma_start3A_54] : memref<10240x48xf32, #tpu.memory_space<vmem_shared>> -> memref<640x48xf32, #tpu.memory_space<vmem_shared>>
      tpu.enqueue_dma source(%dma_start3A_55 : memref<640x48xf32, #tpu.memory_space<vmem_shared>>) target(%dma_start3A_53 : memref<640x48xf32, #tpu.memory_space<hbm>>) target_semaphore(%run_scoped3A_50 : memref<!tpu.dma_semaphore, #tpu.memory_space<semaphore_mem>>)
      %dma_wait3A_56 = arith.constant 0 : i32
      %dma_wait3A_57 = tpu.memref_slice %arg5[%arg0, %mul3A_49, %dma_wait3A_56] : memref<2x10240x48xf32, #tpu.memory_space<hbm>> -> memref<1x640x48xf32, #tpu.memory_space<hbm>>
      %dma_wait3A_58 = tpu.memref_squeeze %dma_wait3A_57 : memref<1x640x48xf32, #tpu.memory_space<hbm>> -> memref<640x48xf32, #tpu.memory_space<hbm>>
      %dma_wait3A_59 = arith.constant 0 : i32
      %dma_wait3A_60 = tpu.memref_slice %arg10[%mul3A_47, %dma_wait3A_59] : memref<10240x48xf32, #tpu.memory_space<vmem_shared>> -> memref<640x48xf32, #tpu.memory_space<vmem_shared>>
      tpu.wait_dma2 semaphore(%run_scoped3A_50 : memref<!tpu.dma_semaphore, #tpu.memory_space<semaphore_mem>>) src(%dma_wait3A_60 : memref<640x48xf32, #tpu.memory_space<vmem_shared>>) dst(%dma_wait3A_58 : memref<640x48xf32, #tpu.memory_space<hbm>>)
      tpu.yield
    }) : () -> ()
    return
  }
}

module attributes {stable_mosaic.version = 14 : i64} {
  func.func @_densea_body(%arg0: i32, %arg1: memref<1024x128xf32, #tpu.memory_space<vmem>>, %arg2: memref<128x256xf32, #tpu.memory_space<vmem>>, %arg3: memref<1x256xf32, #tpu.memory_space<vmem>>, %arg4: memref<1024x256xf32, #tpu.memory_space<vmem>>) attributes {dimension_semantics = [#tpu.dimension_semantics<arbitrary>], iteration_bounds = array<i64: 10>, scalar_prefetch = 0 : i64, scratch_operands = 0 : i64, tpu.core_type = #tpu.core_type<tc>, window_params = [{transform_indices = @transform_0, window_bounds = array<i64: 1024, 128>}, {pipeline_mode = #tpu.pipeline_mode<synchronous>, transform_indices = @transform_1, window_bounds = array<i64: 128, 256>}, {pipeline_mode = #tpu.pipeline_mode<synchronous>, transform_indices = @transform_2, window_bounds = array<i64: 1, 256>}, {transform_indices = @transform_3, window_bounds = array<i64: 1024, 256>}]} {
    %get3A = arith.constant 0 : index
    %get3A_0 = arith.constant 0 : index
    %get3A_1 = vector.load %arg1[%get3A, %get3A_0] : memref<1024x128xf32, #tpu.memory_space<vmem>>, vector<1024x128xf32>
    %get3A_2 = arith.constant 0 : index
    %get3A_3 = arith.constant 0 : index
    %get3A_4 = vector.load %arg2[%get3A_2, %get3A_3] : memref<128x256xf32, #tpu.memory_space<vmem>>, vector<128x256xf32>
    %dot_general3A = arith.constant dense<0.000000e+00> : vector<1024x256xf32>
    %dot_general3A_5 = tpu.matmul %get3A_1, %get3A_4, %dot_general3A {dimension_numbers = #tpu.dot_dimension_numbers<[1], [0], [0], [1], [0, 0, 1, 1], [], []>, transpose_lhs_hint = false} : vector<1024x128xf32>, vector<128x256xf32>, vector<1024x256xf32> -> vector<1024x256xf32>
    %get3A_6 = arith.constant 0 : index
    %get3A_7 = arith.constant 0 : index
    %get3A_8 = vector.load %arg3[%get3A_6, %get3A_7] : memref<1x256xf32, #tpu.memory_space<vmem>>, vector<1x256xf32>
    %add3A = vector.broadcast %get3A_8 : vector<1x256xf32> to vector<1024x256xf32>
    %add3A_9 = arith.addf %dot_general3A_5, %add3A : vector<1024x256xf32>
    %swap3A = arith.constant 0 : index
    %swap3A_10 = arith.constant 0 : index
    %swap3A_11 = vector.load %arg4[%swap3A, %swap3A_10] : memref<1024x256xf32, #tpu.memory_space<vmem>>, vector<1024x256xf32>
    tpu.vector_store %arg4[%swap3A, %swap3A_10], %add3A_9 {strides = array<i32>} : memref<1024x256xf32, #tpu.memory_space<vmem>>, vector<1024x256xf32>,
    return
  }
  func.func @transform_0(%arg0: i32) -> (i32, i32) {
    %c0_i32 = arith.constant 0 : i32
    %c0_i32_0 = arith.constant 0 : i32
    return %arg0, %c0_i32 : i32, i32
  }
  func.func @transform_1(%arg0: i32) -> (i32, i32) {
    %c0_i32 = arith.constant 0 : i32
    %c0_i32_0 = arith.constant 0 : i32
    %c0_i32_1 = arith.constant 0 : i32
    return %c0_i32, %c0_i32_0 : i32, i32
  }
  func.func @transform_2(%arg0: i32) -> (i32, i32) {
    %c0_i32 = arith.constant 0 : i32
    %c0_i32_0 = arith.constant 0 : i32
    %c0_i32_1 = arith.constant 0 : i32
    return %c0_i32, %c0_i32_0 : i32, i32
  }
  func.func @transform_3(%arg0: i32) -> (i32, i32) {
    %c0_i32 = arith.constant 0 : i32
    %c0_i32_0 = arith.constant 0 : i32
    return %arg0, %c0_i32 : i32, i32
  }
}

module attributes {stable_mosaic.version = 14 : i64} {
  func.func @_dense1_body(%arg0: i32, %arg1: memref<2x1024x64xf32, #tpu.memory_space<vmem>>, %arg2: memref<2x1024x16xf32, #tpu.memory_space<vmem>>, %arg3: memref<1024x256xf32, #tpu.memory_space<vmem>>, %arg4: memref<128x256xf32, #tpu.memory_space<vmem>>, %arg5: memref<256x48xf32, #tpu.memory_space<vmem>>, %arg6: memref<1024x48xf32, #tpu.memory_space<vmem>>, %arg7: memref<1024x256xf32, #tpu.memory_space<vmem>>) attributes {dimension_semantics = [#tpu.dimension_semantics<arbitrary>], iteration_bounds = array<i64: 10>, scalar_prefetch = 0 : i64, scratch_operands = 0 : i64, tpu.core_type = #tpu.core_type<tc>, window_params = [{transform_indices = @transform_0, window_bounds = array<i64: 2, 1024, 64>}, {transform_indices = @transform_1, window_bounds = array<i64: 2, 1024, 16>}, {transform_indices = @transform_2, window_bounds = array<i64: 1024, 256>}, {pipeline_mode = #tpu.pipeline_mode<synchronous>, transform_indices = @transform_3, window_bounds = array<i64: 128, 256>}, {pipeline_mode = #tpu.pipeline_mode<synchronous>, transform_indices = @transform_4, window_bounds = array<i64: 256, 48>}, {transform_indices = @transform_5, window_bounds = array<i64: 1024, 48>}, {transform_indices = @transform_6, window_bounds = array<i64: 1024, 256>}]} {
    %get3A = arith.constant 0 : index
    %get3A_0 = arith.constant 0 : index
    %get3A_1 = arith.constant 0 : index
    %get3A_2 = vector.load %arg1[%get3A, %get3A_0, %get3A_1] : memref<2x1024x64xf32, #tpu.memory_space<vmem>>, vector<1x1024x64xf32>
    %get3A_3 = vector.shape_cast %get3A_2 : vector<1x1024x64xf32> to vector<1024x64xf32>
    %get3A_4 = arith.constant 1 : index
    %get3A_5 = arith.constant 0 : index
    %get3A_6 = arith.constant 0 : index
    %get3A_7 = vector.load %arg1[%get3A_4, %get3A_5, %get3A_6] : memref<2x1024x64xf32, #tpu.memory_space<vmem>>, vector<1x1024x64xf32>
    %get3A_8 = vector.shape_cast %get3A_7 : vector<1x1024x64xf32> to vector<1024x64xf32>
    %concatenate3A = tpu.concatenate %get3A_3, %get3A_8 in 1 : vector<1024x64xf32>, vector<1024x64xf32> -> vector<1024x128xf32>
    %get3A_9 = arith.constant 0 : index
    %get3A_10 = arith.constant 0 : index
    %get3A_11 = arith.constant 0 : index
    %get3A_12 = vector.load %arg2[%get3A_9, %get3A_10, %get3A_11] : memref<2x1024x16xf32, #tpu.memory_space<vmem>>, vector<1x1024x1xf32>
    %get3A_13 = vector.shape_cast %get3A_12 : vector<1x1024x1xf32> to vector<1024x1xf32>
    %get3A_14 = arith.constant 1 : index
    %get3A_15 = arith.constant 0 : index
    %get3A_16 = arith.constant 0 : index
    %get3A_17 = vector.load %arg2[%get3A_14, %get3A_15, %get3A_16] : memref<2x1024x16xf32, #tpu.memory_space<vmem>>, vector<1x1024x1xf32>
    %get3A_18 = vector.shape_cast %get3A_17 : vector<1x1024x1xf32> to vector<1024x1xf32>
    %add3A = arith.addf %get3A_13, %get3A_18 : vector<1024x1xf32>
    %max3A = arith.constant 1.000000e+00 : f32
    %max3A_19 = vector.broadcast %max3A : f32 to vector<1024x1xf32>
    %max3A_20 = arith.maximumf %add3A, %max3A_19 : vector<1024x1xf32>
    %div3A = vector.broadcast %max3A_20 : vector<1024x1xf32> to vector<1024x128xf32>
    %div3A_21 = arith.divf %concatenate3A, %div3A : vector<1024x128xf32>
    %get3A_22 = arith.constant 0 : index
    %get3A_23 = arith.constant 0 : index
    %get3A_24 = vector.load %arg4[%get3A_22, %get3A_23] : memref<128x256xf32, #tpu.memory_space<vmem>>, vector<128x256xf32>
    %dot_general3A = arith.constant dense<0.000000e+00> : vector<1024x256xf32>
    %dot_general3A_25 = tpu.matmul %div3A_21, %get3A_24, %dot_general3A {dimension_numbers = #tpu.dot_dimension_numbers<[1], [0], [0], [1], [0, 0, 1, 1], [], []>, transpose_lhs_hint = false} : vector<1024x128xf32>, vector<128x256xf32>, vector<1024x256xf32> -> vector<1024x256xf32>
    %get3A_26 = arith.constant 0 : index
    %get3A_27 = arith.constant 0 : index
    %get3A_28 = vector.load %arg3[%get3A_26, %get3A_27] : memref<1024x256xf32, #tpu.memory_space<vmem>>, vector<1024x256xf32>
    %add3A_29 = arith.addf %dot_general3A_25, %get3A_28 : vector<1024x256xf32>
    %max3A_30 = arith.constant 0.000000e+00 : f32
    %max3A_31 = vector.broadcast %max3A_30 : f32 to vector<1024x256xf32>
    %max3A_32 = arith.maximumf %add3A_29, %max3A_31 : vector<1024x256xf32>
    %swap3A = arith.constant 0 : index
    %swap3A_33 = arith.constant 0 : index
    %swap3A_34 = vector.load %arg7[%swap3A, %swap3A_33] : memref<1024x256xf32, #tpu.memory_space<vmem>>, vector<1024x256xf32>
    tpu.vector_store %arg7[%swap3A, %swap3A_33], %max3A_32 {strides = array<i32>} : memref<1024x256xf32, #tpu.memory_space<vmem>>, vector<1024x256xf32>,
    %get3A_35 = arith.constant 0 : index
    %get3A_36 = arith.constant 0 : index
    %get3A_37 = vector.load %arg5[%get3A_35, %get3A_36] : memref<256x48xf32, #tpu.memory_space<vmem>>, vector<256x48xf32>
    %dot_general3A_38 = arith.constant dense<0.000000e+00> : vector<1024x48xf32>
    %dot_general3A_39 = tpu.matmul %max3A_32, %get3A_37, %dot_general3A_38 {dimension_numbers = #tpu.dot_dimension_numbers<[1], [0], [0], [1], [0, 0, 1, 1], [], []>, transpose_lhs_hint = false} : vector<1024x256xf32>, vector<256x48xf32>, vector<1024x48xf32> -> vector<1024x48xf32>
    %swap3A_40 = arith.constant 0 : index
    %swap3A_41 = arith.constant 0 : index
    %swap3A_42 = vector.load %arg6[%swap3A_40, %swap3A_41] : memref<1024x48xf32, #tpu.memory_space<vmem>>, vector<1024x48xf32>
    tpu.vector_store %arg6[%swap3A_40, %swap3A_41], %dot_general3A_39 {strides = array<i32>} : memref<1024x48xf32, #tpu.memory_space<vmem>>, vector<1024x48xf32>,
    return
  }
  func.func @transform_0(%arg0: i32) -> (i32, i32, i32) {
    %c0_i32 = arith.constant 0 : i32
    %c0_i32_0 = arith.constant 0 : i32
    %c0_i32_1 = arith.constant 0 : i32
    return %c0_i32, %arg0, %c0_i32_0 : i32, i32, i32
  }
  func.func @transform_1(%arg0: i32) -> (i32, i32, i32) {
    %c0_i32 = arith.constant 0 : i32
    %c0_i32_0 = arith.constant 0 : i32
    %c0_i32_1 = arith.constant 0 : i32
    return %c0_i32, %arg0, %c0_i32_0 : i32, i32, i32
  }
  func.func @transform_2(%arg0: i32) -> (i32, i32) {
    %c0_i32 = arith.constant 0 : i32
    %c0_i32_0 = arith.constant 0 : i32
    return %arg0, %c0_i32 : i32, i32
  }
  func.func @transform_3(%arg0: i32) -> (i32, i32) {
    %c0_i32 = arith.constant 0 : i32
    %c0_i32_0 = arith.constant 0 : i32
    %c0_i32_1 = arith.constant 0 : i32
    return %c0_i32, %c0_i32_0 : i32, i32
  }
  func.func @transform_4(%arg0: i32) -> (i32, i32) {
    %c0_i32 = arith.constant 0 : i32
    %c0_i32_0 = arith.constant 0 : i32
    %c0_i32_1 = arith.constant 0 : i32
    return %c0_i32, %c0_i32_0 : i32, i32
  }
  func.func @transform_5(%arg0: i32) -> (i32, i32) {
    %c0_i32 = arith.constant 0 : i32
    %c0_i32_0 = arith.constant 0 : i32
    return %arg0, %c0_i32 : i32, i32
  }
  func.func @transform_6(%arg0: i32) -> (i32, i32) {
    %c0_i32 = arith.constant 0 : i32
    %c0_i32_0 = arith.constant 0 : i32
    return %arg0, %c0_i32 : i32, i32
  }
}

module attributes {stable_mosaic.version = 14 : i64} {
  func.func @_densec_body(%arg0: i32, %arg1: memref<1024x256xf32, #tpu.memory_space<vmem>>, %arg2: memref<256x48xf32, #tpu.memory_space<vmem>>, %arg3: memref<1x48xf32, #tpu.memory_space<vmem>>, %arg4: memref<1024x48xf32, #tpu.memory_space<vmem>>) attributes {dimension_semantics = [#tpu.dimension_semantics<arbitrary>], iteration_bounds = array<i64: 10>, scalar_prefetch = 0 : i64, scratch_operands = 0 : i64, tpu.core_type = #tpu.core_type<tc>, window_params = [{transform_indices = @transform_0, window_bounds = array<i64: 1024, 256>}, {pipeline_mode = #tpu.pipeline_mode<synchronous>, transform_indices = @transform_1, window_bounds = array<i64: 256, 48>}, {pipeline_mode = #tpu.pipeline_mode<synchronous>, transform_indices = @transform_2, window_bounds = array<i64: 1, 48>}, {transform_indices = @transform_3, window_bounds = array<i64: 1024, 48>}]} {
    %get3A = arith.constant 0 : index
    %get3A_0 = arith.constant 0 : index
    %get3A_1 = vector.load %arg1[%get3A, %get3A_0] : memref<1024x256xf32, #tpu.memory_space<vmem>>, vector<1024x256xf32>
    %get3A_2 = arith.constant 0 : index
    %get3A_3 = arith.constant 0 : index
    %get3A_4 = vector.load %arg2[%get3A_2, %get3A_3] : memref<256x48xf32, #tpu.memory_space<vmem>>, vector<256x48xf32>
    %dot_general3A = arith.constant dense<0.000000e+00> : vector<1024x48xf32>
    %dot_general3A_5 = tpu.matmul %get3A_1, %get3A_4, %dot_general3A {dimension_numbers = #tpu.dot_dimension_numbers<[1], [0], [0], [1], [0, 0, 1, 1], [], []>, transpose_lhs_hint = false} : vector<1024x256xf32>, vector<256x48xf32>, vector<1024x48xf32> -> vector<1024x48xf32>
    %get3A_6 = arith.constant 0 : index
    %get3A_7 = arith.constant 0 : index
    %get3A_8 = vector.load %arg3[%get3A_6, %get3A_7] : memref<1x48xf32, #tpu.memory_space<vmem>>, vector<1x48xf32>
    %add3A = vector.broadcast %get3A_8 : vector<1x48xf32> to vector<1024x48xf32>
    %add3A_9 = arith.addf %dot_general3A_5, %add3A : vector<1024x48xf32>
    %swap3A = arith.constant 0 : index
    %swap3A_10 = arith.constant 0 : index
    %swap3A_11 = vector.load %arg4[%swap3A, %swap3A_10] : memref<1024x48xf32, #tpu.memory_space<vmem>>, vector<1024x48xf32>
    tpu.vector_store %arg4[%swap3A, %swap3A_10], %add3A_9 {strides = array<i32>} : memref<1024x48xf32, #tpu.memory_space<vmem>>, vector<1024x48xf32>,
    return
  }
  func.func @transform_0(%arg0: i32) -> (i32, i32) {
    %c0_i32 = arith.constant 0 : i32
    %c0_i32_0 = arith.constant 0 : i32
    return %arg0, %c0_i32 : i32, i32
  }
  func.func @transform_1(%arg0: i32) -> (i32, i32) {
    %c0_i32 = arith.constant 0 : i32
    %c0_i32_0 = arith.constant 0 : i32
    %c0_i32_1 = arith.constant 0 : i32
    return %c0_i32, %c0_i32_0 : i32, i32
  }
  func.func @transform_2(%arg0: i32) -> (i32, i32) {
    %c0_i32 = arith.constant 0 : i32
    %c0_i32_0 = arith.constant 0 : i32
    %c0_i32_1 = arith.constant 0 : i32
    return %c0_i32, %c0_i32_0 : i32, i32
  }
  func.func @transform_3(%arg0: i32) -> (i32, i32) {
    %c0_i32 = arith.constant 0 : i32
    %c0_i32_0 = arith.constant 0 : i32
    return %arg0, %c0_i32 : i32, i32
  }
}

module attributes {stable_mosaic.version = 14 : i64} {
  func.func @_dense2_body(%arg0: i32, %arg1: memref<2x1024x48xf32, #tpu.memory_space<vmem>>, %arg2: memref<2x1024x16xf32, #tpu.memory_space<vmem>>, %arg3: memref<1024x48xf32, #tpu.memory_space<vmem>>, %arg4: memref<1024x48xf32, #tpu.memory_space<vmem>>) attributes {dimension_semantics = [#tpu.dimension_semantics<arbitrary>], iteration_bounds = array<i64: 10>, scalar_prefetch = 0 : i64, scratch_operands = 0 : i64, tpu.core_type = #tpu.core_type<tc>, window_params = [{transform_indices = @transform_0, window_bounds = array<i64: 2, 1024, 48>}, {transform_indices = @transform_1, window_bounds = array<i64: 2, 1024, 16>}, {transform_indices = @transform_2, window_bounds = array<i64: 1024, 48>}, {transform_indices = @transform_3, window_bounds = array<i64: 1024, 48>}]} {
    %get3A = arith.constant 0 : index
    %get3A_0 = arith.constant 0 : index
    %get3A_1 = arith.constant 0 : index
    %get3A_2 = vector.load %arg1[%get3A, %get3A_0, %get3A_1] : memref<2x1024x48xf32, #tpu.memory_space<vmem>>, vector<1x1024x48xf32>
    %get3A_3 = vector.shape_cast %get3A_2 : vector<1x1024x48xf32> to vector<1024x48xf32>
    %get3A_4 = arith.constant 1 : index
    %get3A_5 = arith.constant 0 : index
    %get3A_6 = arith.constant 0 : index
    %get3A_7 = vector.load %arg1[%get3A_4, %get3A_5, %get3A_6] : memref<2x1024x48xf32, #tpu.memory_space<vmem>>, vector<1x1024x48xf32>
    %get3A_8 = vector.shape_cast %get3A_7 : vector<1x1024x48xf32> to vector<1024x48xf32>
    %add3A = arith.addf %get3A_3, %get3A_8 : vector<1024x48xf32>
    %get3A_9 = arith.constant 0 : index
    %get3A_10 = arith.constant 0 : index
    %get3A_11 = arith.constant 0 : index
    %get3A_12 = vector.load %arg2[%get3A_9, %get3A_10, %get3A_11] : memref<2x1024x16xf32, #tpu.memory_space<vmem>>, vector<1x1024x1xf32>
    %get3A_13 = vector.shape_cast %get3A_12 : vector<1x1024x1xf32> to vector<1024x1xf32>
    %get3A_14 = arith.constant 1 : index
    %get3A_15 = arith.constant 0 : index
    %get3A_16 = arith.constant 0 : index
    %get3A_17 = vector.load %arg2[%get3A_14, %get3A_15, %get3A_16] : memref<2x1024x16xf32, #tpu.memory_space<vmem>>, vector<1x1024x1xf32>
    %get3A_18 = vector.shape_cast %get3A_17 : vector<1x1024x1xf32> to vector<1024x1xf32>
    %add3A_19 = arith.addf %get3A_13, %get3A_18 : vector<1024x1xf32>
    %max3A = arith.constant 1.000000e+00 : f32
    %max3A_20 = vector.broadcast %max3A : f32 to vector<1024x1xf32>
    %max3A_21 = arith.maximumf %add3A_19, %max3A_20 : vector<1024x1xf32>
    %div3A = vector.broadcast %max3A_21 : vector<1024x1xf32> to vector<1024x48xf32>
    %div3A_22 = arith.divf %add3A, %div3A : vector<1024x48xf32>
    %get3A_23 = arith.constant 0 : index
    %get3A_24 = arith.constant 0 : index
    %get3A_25 = vector.load %arg3[%get3A_23, %get3A_24] : memref<1024x48xf32, #tpu.memory_space<vmem>>, vector<1024x48xf32>
    %add3A_26 = arith.addf %div3A_22, %get3A_25 : vector<1024x48xf32>
    %swap3A = arith.constant 0 : index
    %swap3A_27 = arith.constant 0 : index
    %swap3A_28 = vector.load %arg4[%swap3A, %swap3A_27] : memref<1024x48xf32, #tpu.memory_space<vmem>>, vector<1024x48xf32>
    tpu.vector_store %arg4[%swap3A, %swap3A_27], %add3A_26 {strides = array<i32>} : memref<1024x48xf32, #tpu.memory_space<vmem>>, vector<1024x48xf32>,
    return
  }
  func.func @transform_0(%arg0: i32) -> (i32, i32, i32) {
    %c0_i32 = arith.constant 0 : i32
    %c0_i32_0 = arith.constant 0 : i32
    %c0_i32_1 = arith.constant 0 : i32
    return %c0_i32, %arg0, %c0_i32_0 : i32, i32, i32
  }
  func.func @transform_1(%arg0: i32) -> (i32, i32, i32) {
    %c0_i32 = arith.constant 0 : i32
    %c0_i32_0 = arith.constant 0 : i32
    %c0_i32_1 = arith.constant 0 : i32
    return %c0_i32, %arg0, %c0_i32_0 : i32, i32, i32
  }
  func.func @transform_2(%arg0: i32) -> (i32, i32) {
    %c0_i32 = arith.constant 0 : i32
    %c0_i32_0 = arith.constant 0 : i32
    return %arg0, %c0_i32 : i32, i32
  }
  func.func @transform_3(%arg0: i32) -> (i32, i32) {
    %c0_i32 = arith.constant 0 : i32
    %c0_i32_0 = arith.constant 0 : i32
    return %arg0, %c0_i32 : i32, i32
  }
}

</mosaic_0001>

<sc_bundles>
// kernel: kernel.11.cloned.1.call-start
scs
__scs_entry_jumppad:
0x0: {  	(pc) =	sbr.rel $0x88, $3  }
0x1: {  	(tag) =	ssettag $0x0;
	lr =	simm.s32 $0x1  }
0x2: {  	[smem:$0x3F99] =	sst lr;
	_ =	strace $0xD0000000  }
0x3: {  	_ = 	snop  }
0x4: {  	_ = 	snop  }
0x5: {  	_ = 	snop  }
0x6: {  	_ = 	snop  }
0x7: {  	_ = 	snop  }
__scs_overlays_trampoline_lowered:
0x8: {  	[smem:$0x3FA8] =	sst s0  }
0x9: {  	[smem:$0x3FA9] =	sst s1  }
0xa: {  	[smem:$0x3FAA] =	sst s2  }
0xb: {  	[smem:$0x3FAB] =	sst s3  }
0xc: {  	[smem:$0x3FAC] =	sst s4  }
0xd: {  	[smem:$0x3FAD] =	sst s5  }
0xe: {  	[smem:$0x3FAE] =	sst s6  }
0xf: {  	[smem:$0x3FAF] =	sst s7  }
0x10: {  	[smem:$0x3FB0] =	sst s8  }
0x11: {  	[smem:$0x3FB1] =	sst s9;
	s0 =	simm.s32 @!p0 $0x0  }
0x12: {  	s1 =	sld [smem:$0x3F97];
	s0 =	simm.s32 @p0 $0x1  }
0x13: {  	[smem:$0x3FB2] =	sst s0;
	s0 =	simm.s32 @!p1 $0x0  }
0x14: {  	s2 =	sld [smem:$0x3F96];
	s0 =	simm.s32 @p1 $0x1  }
0x15: {  	[smem:$0x3FB3] =	sst s0;
	s0 =	simm.s32 @!p2 $0x0  }
0x16: {  	s3 =	sld [smem:$0x3FDB];
	s0 =	simm.s32 @p2 $0x1  }
0x17: {  	s4 =	simm.s32 $0x1BF5;
	[smem:$0x3FB5] =	sst s0  }
0x18: {  	s0 =	sld [smem:$0x3F98];
	_ =	swait.ge [sflag:s4], $0x0  }
0x19: {  	s7 =	sld [smem:$0x3F99]  }
0x1a: {  	s8 =	sadd.s32 $0xFFFFE003, lr  }
0x1b: {  	s9 =	sadd.s32 $0xFFFFFEF7, lr;
	s5 =	simm.s32 $0xFFFFFFFF;
	p2 =	slt.u32 s8, $0xFFFFF086  }
0x1c: {  	p1 =	slt.u32 s9, $0xF7A;
	s5 =	simm.s32 @!p2 $0x0  }
0x1d: {  	s5 =	simm.s32 @p1 $0x1;
	p0 =	seq.s32 s7, s2  }
0x1e: {  	s7 =	smul.u32 @!p0 $0xF7A, s2;
	p2 =	seq.s32 @!p0 s5, $0x0  }
0x1f: {  	s9 =	smul.u32 $0xF7A, s1;
	s8 =	simm.s32 @!p0 $0x1BF5;
	p2 =	por !p2, p0  }
0x20: {  	[sflag:s8] =	ssyncset.s32 @!p0 $0xFFFFF086;
	s6 =	sadd.s32 @!p0 s3, s7;
	s7 =	simm.s32 @!p0 $0x108  }
0x21: {  	s3 =	sadd.s32 s3, s9;
	s6 =	sadd.s32 @!p0 $0x88, s6;
	s7 =	simm.s32 @p2 $0x1082  }
0x22: {  	[simem:s7], [sflag:s8] =	dma.local @!p0 [hbm:s6], $0xF7A  }
0x23: {  	s9 =	sor.u32 $0xD0000000, s2;
	s6 =	simm.s32 $0x108;
	_ =	swait.ge @!p0 [sflag:s8], $0x0  }
0x24: {  	s3 =	sadd.s32 $0x88, s3;
	s6 =	simm.s32 @!p1 $0x1082;
	[sflag:s4] =	ssyncset.s32 $0xFFFFF086  }
0x25: {  	[simem:s6], [sflag:s4] =	dma.local [hbm:s3], $0xF7A  }
0x26: {  	[smem:$0x3F99] =	sst s1;
	(tag) =	ssettag s2;
	_ =	strace s9  }
0x27: {  	s1 =	sld [smem:$0x3FA9]  }
0x28: {  	s2 =	sld [smem:$0x3FAA]  }
0x29: {  	s4 =	sld [smem:$0x3FAC]  }
0x2a: {  	p0 =	seq.s32 s5, $0x0;
	s5 =	sld [smem:$0x3FAD]  }
0x2b: {  	s6 =	sld [smem:$0x3FAE]  }
0x2c: {  	s7 =	sld [smem:$0x3FAF]  }
0x2d: {  	s3 =	simm.s32 $0x108;
	s8 =	sld [smem:$0x3FB0]  }
0x2e: {  	s3 =	simm.s32 @!p0 $0x1082;
	s9 =	sld [smem:$0x3FB1]  }
0x2f: {  	lr =	sadd.s32 s0, s3;
	s0 =	sld [smem:$0x3FA8]  }
0x30: {  	s3 =	sld [smem:$0x3FAB]  }
0x31: {  	[smem:$0x3FB4] =	sst s10  }
0x32: {  	s10 =	sld [smem:$0x3FB2];
	_ =	sdelay $0x3  }
0x33: {  	p0 =	seq.s32 s10, $0x1;
	s10 =	sld [smem:$0x3FB4];
	_ =	sdelay $0x3  }
0x34: {  	[smem:$0x3FB4] =	sst s10  }
0x35: {  	s10 =	sld [smem:$0x3FB3];
	_ =	sdelay $0x3  }
0x36: {  	p1 =	seq.s32 s10, $0x1;
	s10 =	sld [smem:$0x3FB4];
	_ =	sdelay $0x3  }
0x37: {  	[smem:$0x3FB4] =	sst s10  }
0x38: {  	s10 =	sld [smem:$0x3FB5]  }
0x39: {  	_ = 	snop;
	(pc) =	sbr.ind lr, $3  }
0x3a: {  	_ = 	snop  }
0x3b: {  	_ = 	snop  }
0x3c: {  	p2 =	seq.s32 s10, $0x1;
	s10 =	sld [smem:$0x3FB4]  }
0x3d: {  	_ =	shalt  }
0x3e: {  	_ =	shalt  }
0x3f: {  	_ =	shalt  }
0x40: {  	_ =	shalt  }
0x41: {  	_ =	shalt  }
0x42: {  	_ =	shalt  }
0x43: {  	_ =	shalt  }
0x44: {  	_ =	shalt  }
0x45: {  	_ =	shalt  }
0x46: {  	_ =	shalt  }
0x47: {  	_ =	shalt  }
0x48: {  	_ =	shalt  }
0x49: {  	_ =	shalt  }
0x4a: {  	_ =	shalt  }
0x4b: {  	_ =	shalt  }
0x4c: {  	_ =	shalt  }
0x4d: {  	_ =	shalt  }
0x4e: {  	_ =	shalt  }
0x4f: {  	_ =	shalt  }
0x50: {  	_ =	shalt  }
0x51: {  	_ =	shalt  }
0x52: {  	_ =	shalt  }
0x53: {  	_ =	shalt  }
0x54: {  	_ =	shalt  }
0x55: {  	_ =	shalt  }
0x56: {  	_ =	shalt  }
0x57: {  	_ =	shalt  }
0x58: {  	_ =	shalt  }
0x59: {  	_ =	shalt  }
0x5a: {  	_ =	shalt  }
0x5b: {  	_ =	shalt  }
0x5c: {  	_ =	shalt  }
0x5d: {  	_ =	shalt  }
0x5e: {  	_ =	shalt  }
0x5f: {  	_ =	shalt  }
0x60: {  	_ =	shalt  }
0x61: {  	_ =	shalt  }
0x62: {  	_ =	shalt  }
0x63: {  	_ =	shalt  }
0x64: {  	_ =	shalt  }
0x65: {  	_ =	shalt  }
0x66: {  	_ =	shalt  }
0x67: {  	_ =	shalt  }
0x68: {  	_ =	shalt  }
0x69: {  	_ =	shalt  }
0x6a: {  	_ =	shalt  }
0x6b: {  	_ =	shalt  }
0x6c: {  	_ =	shalt  }
0x6d: {  	_ =	shalt  }
0x6e: {  	_ =	shalt  }
0x6f: {  	_ =	shalt  }
0x70: {  	_ =	shalt  }
0x71: {  	_ =	shalt  }
0x72: {  	_ =	shalt  }
0x73: {  	_ =	shalt  }
0x74: {  	_ =	shalt  }
0x75: {  	_ =	shalt  }
0x76: {  	_ =	shalt  }
0x77: {  	_ =	shalt  }
0x78: {  	_ =	shalt  }
0x79: {  	_ =	shalt  }
0x7a: {  	_ =	shalt  }
0x7b: {  	_ =	shalt  }
0x7c: {  	_ =	shalt  }
0x7d: {  	_ =	shalt  }
0x7e: {  	_ =	shalt  }
0x7f: {  	_ =	shalt  }
0x80: {  	_ =	shalt  }
0x81: {  	_ =	shalt  }
0x82: {  	_ =	shalt  }
0x83: {  	_ =	shalt  }
0x84: {  	_ =	shalt  }
0x85: {  	_ =	shalt  }
0x86: {  	_ =	shalt  }
0x87: {  	_ =	shalt  }
.Lfunc_end0:
.L_simem_size_0:
called_computation.1_lowered:
.L_overlay_start_0:
0x88: {  	s2 =	sld [smem:$0x3FD9]  }
0x89: {  	s3 =	sld [smem:$0x3FFE];
	_ =	sdelay $0x1  }
0x8a: {  	s1 =	srdreg.scid  }
0x8b: {  	s0 =	sand.u32 $0x1, s1  }
0x8c: {  	s16 =	sshll.u32 s0, $0xA;
	s2 =	sadd.s32 s3, s2  }
0x8d: {  	s2 =	sadd.s32 s2, s16  }
0x8e: {  	[smem:$0x3FC0] =	sst s2  }
0x8f: {  	_ = 	snop  }
0x90: {  	(tm) =	ssettm $0x1  }
0x91: {  	s17 =	sld [smem:$0x3FFB];
	_ =	sdelay $0x3  }
0x92: {  	_ =	strace s17  }
0x93: {  	s2 =	sld [smem:$0x3FFC];
	_ =	sdelay $0x3  }
0x94: {  	_ =	strace s2  }
0x95: {  	s2 =	sld [smem:$0x3FFD];
	_ =	sdelay $0x3  }
0x96: {  	_ =	strace s2  }
0x97: {  	_ =	strace $0x8FFFFFFF  }
0x98: {  	s18 =	sld [smem:$0x3FDB];
	_ =	sdelay $0x1  }
0x99: {  	s19 =	simm.s32 $_scs_section_size  }
0x9a: {  	s4 =	simm.s32 $_size__tile_overlayer_lowered;
	s5 =	simm.s32 $_tile_overlayer_lowered  }
0x9b: {  	s22 =	simm.s32 $0x1BFF;
	s21 =	sshll.u32 s5, $0x1;
	s2 =	sadd.s32 s19, s18  }
0x9c: {  	s6 =	simm.s32 $0x0;
	s20 =	sshll.u32 s4, $0x1;
	s4 =	sadd.s32 s21, s2  }
0x9d: {  	[timem:s6], [sflag:s22] =	dma.local [hbm:s4], s20  }
0x9e: {  	_ =	swait.ge [sflag:s22], s20  }
0x9f: {  	s3 =	ssub.s32 $0x0, s20;
	[sflag:s22] =	ssyncset.done $0x0  }
0xa0: {  	[sflag:s22] =	ssyncadd.s32 s3;
	_ =	sdelay $0x1  }
0xa1: {  	s23 =	simm.s32 $0x1B8B  }
0xa2: {  	_ =	swait.ge [sflag:s23], $0x1  }
0xa3: {  	[sflag:s23] =	ssyncset.done $0x0  }
0xa4: {  	s25 =	simm.s32 $0x1B8E;
	s24 =	sld [smem:$0x3FFE];
	[sflag:s23] =	ssyncadd.s32 $0xFFFFFFFF  }
0xa5: {  	s26 =	simm.s32 $execute0_lowered;
	[smem:$0x3FD2] =	sst s25  }
0xa6: {  	s4 =	sshll.u32 s26, $0x1;
	_ =	strace $0x80000049;
	[dreg:$0x1] =	wrdreg $0xFFFFFFFF  }
0xa7: {  	s28 =	simm.s32 $_size_execute0_lowered;
	s2 =	sadd.s32 s2, s4;
	[dreg:$0x0] =	wrdreg $0x0  }
0xa8: {  	s4 =	sshll.u32 s28, $0x1;
	[dreg:$0x2] =	wrdreg s2  }
0xa9: {  	[dreg:$0x3] =	wrdreg s4  }
0xaa: {  	[dreg:$0x4] =	wrdreg $0xC0  }
0xab: {  	_ =	task [dreg:s6], $0x5FFFF  }
0xac: {  	[dreg:$0x1] =	wrdreg $0xFFFFFFFF  }
0xad: {  	[dreg:$0x0] =	wrdreg $0x60  }
0xae: {  	[dreg:$0x2] =	wrdreg s24  }
0xaf: {  	[dreg:$0x3] =	wrdreg $0x7F000  }
0xb0: {  	[dreg:$0x4] =	wrdreg $0x9  }
0xb1: {  	_ =	task.clear_ibuf [dreg:s6], $0x5FFFF;
	_ =	strace $0x90000049  }
0xb2: {  	s29 =	simm.s32 $0x9;
	_ =	strace $0x8000004B  }
0xb3: {  	_ =	swait.ge [sflag:s29], $0x1  }
0xb4: {  	[sflag:s29] =	ssyncadd.s32 $0xFFFFFFFF  }
0xb5: {  	_ =	strace $0x9000004B  }
0xb6: {  	_ =	sfence  }
0xb7: {  	s30 =	sld [smem:$0x0];
	_ =	sdelay $0x2  }
0xb8: {  	s31 =	sshll.u32 s1, $0xD;
	s1 =	sshrl.u32 s1, $0x2  }
0xb9: {  	s3 =	sand.u32 $0x4000, s31;
	s1 =	sadd.s32 s1, s30  }
0xba: {  	s0 =	sor.u32 s3, s0;
	s1 =	sshll.u32 s1, $0x11  }
0xbb: {  	s0 =	sor.u32 s1, s0  }
0xbc: {  	s0 =	sadd.s32 $0x8F2B, s0  }
0xbd: {  	[sflag:s0] =	ssyncadd.remote.s32 $0x1  }
0xbe: {  	_ =	sfence.sel $0xFFFF  }
0xbf: {  	[dreg:$0x0] =	wrdreg $0xFFFFFFFF;
	(pc) =	sbr.abs _section_cstart, $3  }
0xc0: {  	[dreg:$0x1] =	wrdreg $0xFFFFFFFF  }
0xc1: {  	_ =	task.clear_ibuf [dreg:s6], $0x2FFFF;
	_ =	strace $0x9FFFFFFF  }
0xc2: {  	(tm) =	ssettm $0x7FFFFFFF  }
0xc3: {  	_ =	shalt  }
tec
execute0_lowered:
.L_overlay_start_1:
0x0: {  	(tag) =	ssettag $0x1  }
0x1: {  	s1 =	srdreg.scid  }
0x2: {  	s0 =	stileid.u32;
	s6 =	rddreg [dreg:$0x0]  }
0x3: {  	s2 =	rddreg [dreg:$0x1];
	s3 =	simm.s32 $0x0;
	s14 =	simm.s32 $0x4F00  }
0x4: {  	s15 =	simm.s32 $0x3;
	s16 =	simm.s32 $0x2780;
	s17 =	simm.s32 $0x80  }
0x5: {  	s18 =	simm.s32 $0x6700;
	s19 =	simm.s32 $0x1;
	s20 =	simm.s32 $0x2  }
0x6: {  	s21 =	simm.s32 $0x4E80;
	s5 =	sand.u32 $0x1, s1;
	s8 =	smul.u32 $0x7800, s0  }
0x7: {  	s28 =	sshll.u32 s0, $0x1;
	[smem:$0x7FF] =	sst s3;
	s10 =	smul.u32 $0x1E000, s0  }
0x8: {  	s4 =	sadd.s32 $0x1E00, s6;
	s1 =	sor.u32 s5, s28;
	s9 =	smul.u32 $0x78000, s5  }
0x9: {  	s5 =	ssub.s32 $0x2, s5;
	s7 =	smul.u32 $0x4F0, s1;
	s1 =	rddreg [dreg:$0x2]  }
0xa: {  	_ =	strace $0x8000004A;
	s30 =	sshrl.u32 s10, $0x2;
	s31 =	sshrl.u32 s5, $0x1  }
0xb: {  	s29 =	sadd.s32 s8, s9;
	s9 =	sadd.s32 s30, s2;
	s13 =	ssub.s32 s5, s31  }
0xc: {  	s5 =	sadd.s32 s8, s2;
	s11 =	sadd.s32 s7, s6;
	s7 =	sshrl.u32 s29, $0x3  }
0xd: {  	s8 =	sadd.s32 $0x4800, s9;
	s13 =	smax.u32 s13, $0x1;
	s12 =	sadd.s32 s7, s6  }
0xe: {  	s6 =	sadd.s32 $0x1800, s9;
	s7 =	sadd.s32 $0x3000, s9;
	s9 =	sadd.s32 $0x6000, s9  }
0xf: {  	v0 =	vimm.f32 $0.0e+00;
	s10 =	sadd.s32 $0x33000, s11;
	s11 =	sadd.s32 $0x29200, s11;
	s12 =	sadd.s32 $0x8CE00, s12  }
.LBB2_1:
0x10: {  	s22 =	simm.s32 $0xC0;
	s23 =	simm.s32 $0x0  }
.LBB2_2:
0x11: {  	p0 =	sne.s32 s22, $0x5F40;
	[tilespmem:s23+$0x4F20] =	vst v0;
	s24 =	smov.u32 s22;
	s22 =	sadd.s32 $0xC0, s22  }
.Ltmp0:
0x12: {  	[tilespmem:s23+$0x4F00] =	vst v0;
	(pc) =	sbr.rel @p0 .LBB2_2-.Ltmp0, $2  }
0x13: {  	[tilespmem:s23+$0x4F10] =	vst v0;
	_ =	sdelay $0x2  }
0x14: {  	s23 =	sshra.s32 s24, $0x2  }
0x15: {  	[tilespmem:s23+$0x4F20] =	vst v0  }
0x16: {  	[tilespmem:s23+$0x4F00] =	vst v0  }
0x17: {  	[tilespmem:s23+$0x4F10] =	vst v0  }
0x18: {  	[spmem:s5] =	stream.linear.scatter [tilespmem:s14], [sflag:$0x3], $0x1800, $0x38;
	[tilespmem:$0xF700] =	vst v63  }
0x19: {  	_ =	swait.ge [sflag:s15], $0x1800  }
0x1a: {  	[sflag:s15] =	ssyncset.done $0x0  }
0x1b: {  	[sflag:s15] =	ssyncadd.s32 $0xFFFFE800  }
0x1c: {  	[spmem:s6] =	stream.linear.scatter [tilespmem:s14], [sflag:$0x3], $0x1800, $0x38;
	[tilespmem:$0xF700] =	vst v63  }
0x1d: {  	_ =	swait.ge [sflag:s15], $0x1800  }
0x1e: {  	[sflag:s15] =	ssyncset.done $0x0  }
0x1f: {  	[sflag:s15] =	ssyncadd.s32 $0xFFFFE800  }
0x20: {  	[spmem:s7] =	stream.linear.scatter [tilespmem:s14], [sflag:$0x3], $0x1800, $0x38;
	[tilespmem:$0xF700] =	vst v63  }
0x21: {  	_ =	swait.ge [sflag:s15], $0x1800  }
0x22: {  	[sflag:s15] =	ssyncset.done $0x0  }
0x23: {  	[sflag:s15] =	ssyncadd.s32 $0xFFFFE800  }
0x24: {  	[spmem:s8] =	stream.linear.scatter [tilespmem:s14], [sflag:$0x3], $0x1800, $0x38;
	[tilespmem:$0xF700] =	vst v63  }
0x25: {  	_ =	swait.ge [sflag:s15], $0x1800  }
0x26: {  	[sflag:s15] =	ssyncset.done $0x0  }
0x27: {  	[sflag:s15] =	ssyncadd.s32 $0xFFFFE800  }
0x28: {  	[spmem:s9] =	stream.linear.scatter [tilespmem:s14], [sflag:$0x3], $0x1800, $0x38;
	[tilespmem:$0xF700] =	vst v63  }
0x29: {  	_ =	swait.ge [sflag:s15], $0x1800  }
0x2a: {  	[sflag:s15] =	ssyncset.done $0x0  }
0x2b: {  	s22 =	simm.s32 $0x0;
	[sflag:s15] =	ssyncadd.s32 $0xFFFFE800  }
0x2c: {  	[tilespmem:s22], [sflag:$0x3] =	stream.linear.gather [hbm4b:s10+s22], $0x2780, $0x38;
	[tilespmem:$0xF700] =	vst v63  }
0x2d: {  	_ =	swait.ge [sflag:s15], $0x2780  }
0x2e: {  	[sflag:s15] =	ssyncset.done $0x0  }
0x2f: {  	[sflag:s15] =	ssyncadd.s32 $0xFFFFD880  }
0x30: {  	[tilespmem:s16], [sflag:$0x3] =	stream.linear.gather [hbm4b:s11+s22], $0x2780, $0x38;
	[tilespmem:$0xF700] =	vst v63  }
0x31: {  	_ =	swait.ge [sflag:s15], $0x2780  }
0x32: {  	[sflag:s15] =	ssyncset.done $0x0  }
0x33: {  	[sflag:s15] =	ssyncadd.s32 $0xFFFFD880  }
0x34: {  	[bflag:$0x0] =	sbarrier.arrive $0xFFFF  }
0x35: {  	[tilespmem:s14], [sflag:$0x1] =	stream.indirect.gather [hbm4b:s4+s17], $0x30, s22, s17, $0xb8;
	[tilespmem:$0xF700] =	vst v63  }
0x36: {  	s28 =	simm.s32 $0x80  }
0x37: {  	[tilespmem:s18], [sflag:$0x2] =	stream.indirect.gather [hbm4b:s4+s17], $0x30, s28, s17, $0xb8;
	[tilespmem:$0xF700] =	vst v63  }
0x38: {  	_ =	swait.ge [sflag:s19], $0x1800  }
0x39: {  	[sflag:s19] =	ssyncset.done $0x0  }
0x3a: {  	s29 =	simm.s32 $0x2780;
	[sflag:s19] =	ssyncadd.s32 $0xFFFFE800  }
0x3b: {  	[spmem:s2] =	stream.indirect.scatter.add.f32 [tilespmem:s14], [sflag:$0x3], $0x30, s29, s17, $0xb8;
	[tilespmem:$0xF700] =	vst v63  }
0x3c: {  	_ =	swait.ge [sflag:s15], $0x1800  }
0x3d: {  	[sflag:s15] =	ssyncset.done $0x0  }
0x3e: {  	s30 =	simm.s32 $0x100;
	[sflag:s15] =	ssyncadd.s32 $0xFFFFE800  }
0x3f: {  	[tilespmem:s14], [sflag:$0x1] =	stream.indirect.gather [hbm4b:s4+s17], $0x30, s30, s17, $0xb8;
	[tilespmem:$0xF700] =	vst v63  }
0x40: {  	_ =	swait.ge [sflag:s20], $0x1800  }
0x41: {  	[sflag:s20] =	ssyncset.done $0x0  }
0x42: {  	s31 =	simm.s32 $0x2800;
	[sflag:s20] =	ssyncadd.s32 $0xFFFFE800  }
0x43: {  	[spmem:s2] =	stream.indirect.scatter.add.f32 [tilespmem:s18], [sflag:$0x3], $0x30, s31, s17, $0xb8;
	[tilespmem:$0xF700] =	vst v63  }
0x44: {  	_ =	swait.ge [sflag:s15], $0x1800  }
0x45: {  	s23 =	simm.s32 $0x800;
	s22 =	simm.s32 $0x100;
	[sflag:s15] =	ssyncset.done $0x0  }
.LBB2_4:
0x46: {  	s24 =	sadd.s32 $0x80, s22  }
0x47: {  	[sflag:s15] =	ssyncadd.s32 $0xFFFFE800;
	s25 =	smov.u32 s23;
	s26 =	sadd.s32 $0x400, s23  }
0x48: {  	[tilespmem:s18], [sflag:$0x2] =	stream.indirect.gather [hbm4b:s4+s17], $0x30, s24, s17, $0xb8;
	[tilespmem:$0xF700] =	vst v63  }
0x49: {  	p0 =	sne.s32 s23, $0x9800;
	_ =	swait.ge [sflag:s19], $0x1800  }
0x4a: {  	[sflag:s19] =	ssyncset.done $0x0  }
0x4b: {  	s23 =	sadd.s32 $0x2780, s22;
	[sflag:s19] =	ssyncadd.s32 $0xFFFFE800  }
0x4c: {  	[spmem:s2] =	stream.indirect.scatter.add.f32 [tilespmem:s14], [sflag:$0x3], $0x30, s23, s17, $0xb8;
	[tilespmem:$0xF700] =	vst v63  }
0x4d: {  	_ =	swait.ge [sflag:s15], $0x1800  }
0x4e: {  	[sflag:s15] =	ssyncset.done $0x0  }
0x4f: {  	s23 =	sadd.s32 $0x100, s22;
	[sflag:s15] =	ssyncadd.s32 $0xFFFFE800  }
0x50: {  	[tilespmem:s14], [sflag:$0x1] =	stream.indirect.gather [hbm4b:s4+s17], $0x30, s23, s17, $0xb8;
	[tilespmem:$0xF700] =	vst v63  }
0x51: {  	_ =	swait.ge [sflag:s20], $0x1800  }
.Ltmp1:
0x52: {  	[sflag:s20] =	ssyncset.done $0x0;
	(pc) =	sbr.rel @p0 .LBB2_4-.Ltmp1, $4  }
0x53: {  	s22 =	sadd.s32 $0x2800, s22;
	[sflag:s20] =	ssyncadd.s32 $0xFFFFE800  }
0x54: {  	[spmem:s2] =	stream.indirect.scatter.add.f32 [tilespmem:s18], [sflag:$0x3], $0x30, s22, s17, $0xb8;
	[tilespmem:$0xF700] =	vst v63  }
0x55: {  	_ =	swait.ge [sflag:s15], $0x1800  }
0x56: {  	s23 =	smov.u32 s26;
	s22 =	sshra.s32 s25, $0x2;
	[sflag:s15] =	ssyncset.done $0x0  }
0x57: {  	s23 =	sadd.s32 $0x80, s22;
	[sflag:s15] =	ssyncadd.s32 $0xFFFFE800  }
0x58: {  	[tilespmem:s18], [sflag:$0x2] =	stream.indirect.gather [hbm4b:s4+s17], $0x30, s23, s17, $0xb8;
	[tilespmem:$0xF700] =	vst v63  }
0x59: {  	_ =	swait.ge [sflag:s19], $0x1800  }
0x5a: {  	[sflag:s19] =	ssyncset.done $0x0  }
0x5b: {  	s26 =	sadd.s32 $0x2780, s22;
	[sflag:s19] =	ssyncadd.s32 $0xFFFFE800  }
0x5c: {  	[spmem:s2] =	stream.indirect.scatter.add.f32 [tilespmem:s14], [sflag:$0x3], $0x30, s26, s17, $0xb8;
	[tilespmem:$0xF700] =	vst v63  }
0x5d: {  	_ =	swait.ge [sflag:s15], $0x1800  }
0x5e: {  	[sflag:s15] =	ssyncset.done $0x0  }
0x5f: {  	s28 =	sadd.s32 $0x100, s22;
	[sflag:s15] =	ssyncadd.s32 $0xFFFFE800  }
0x60: {  	[tilespmem:s14], [sflag:$0x1] =	stream.indirect.gather [hbm4b:s4+s17], $0x30, s28, s17, $0xb8;
	[tilespmem:$0xF700] =	vst v63  }
0x61: {  	_ =	swait.ge [sflag:s20], $0x1800  }
0x62: {  	[sflag:s20] =	ssyncset.done $0x0  }
0x63: {  	s29 =	sadd.s32 $0x2800, s22;
	[sflag:s20] =	ssyncadd.s32 $0xFFFFE800  }
0x64: {  	[spmem:s2] =	stream.indirect.scatter.add.f32 [tilespmem:s18], [sflag:$0x3], $0x30, s29, s17, $0xb8;
	[tilespmem:$0xF700] =	vst v63  }
0x65: {  	_ =	swait.ge [sflag:s15], $0x1800  }
0x66: {  	[sflag:s15] =	ssyncset.done $0x0  }
0x67: {  	[sflag:s15] =	ssyncadd.s32 $0xFFFFE800  }
0x68: {  	_ =	swait.ge [sflag:s19], $0x1800  }
0x69: {  	[sflag:s19] =	ssyncset.done $0x0  }
0x6a: {  	[sflag:s19] =	ssyncadd.s32 $0xFFFFE800  }
0x6b: {  	[spmem:s2] =	stream.indirect.scatter.add.f32 [tilespmem:s14], [sflag:$0x3], $0x30, s21, s17, $0xb8;
	[tilespmem:$0xF700] =	vst v63  }
0x6c: {  	_ =	swait.ge [sflag:s15], $0x1800  }
0x6d: {  	s30 =	sshll.u32 s0, $0x6;
	s3 =	sadd.s32 $0x1, s3;
	[sflag:s15] =	ssyncset.done $0x0  }
0x6e: {  	s31 =	sshrl.u32 s5, $0x3;
	p0 =	sne.s32 s3, s13;
	[sflag:s15] =	ssyncadd.s32 $0xFFFFE800  }
.Ltmp2:
0x6f: {  	s22 =	sor.u32 $0x1C03, s30;
	[bflag:$0x0] =	sbarrier.arrive $0xFFFF;
	(pc) =	sbr.rel @p0 .LBB2_1-.Ltmp2, $4  }
0x70: {  	[hbm:s12], [sflag:s22] =	dma.local [spmem:s31], $0xF00  }
0x71: {  	_ =	swait.ge [sflag:s15], $0xF00  }
0x72: {  	[sflag:s15] =	ssyncset.done $0x0  }
0x73: {  	[sflag:s15] =	ssyncadd.s32 $0xFFFFF100  }
0x74: {  	_ =	sfence.sel $0x180000  }
0x75: {  	[bflag:$0x0] =	sbarrier.arrive $0xFFFF  }
0x76: {  	p0 =	sne.s32 s0, $0x0;
	_ =	strace $0x9000004A  }
0x77: {  	s0 =	sadd.s32 @!p0 $0x100000, s1;
	[bflag:$0x2] =	sbarrier.arrive $0xFFFF  }
0x78: {  	[sflag:s0] =	ssyncadd.tile.s32 @!p0 $0x1;
	_ =	shalt  }
.Lfunc_end2:
_tile_overlayer_lowered:
.L_overlay_start_2:
0x79: {  	(tag) =	ssettag $0x2  }
0x7a: {  	s0 =	rddreg [dreg:$0x0];
	s2 =	stileid.u32  }
0x7b: {  	s1 =	rddreg [dreg:$0x1];
	p0 =	sne.s32 s2, $0x0  }
0x7c: {  	s3 =	rddreg [dreg:$0x2];
	[bflag:$0x3] =	sbarrier.arrive $0xFFFF;
	s2 =	simm.s32 @!p0 $0x1C03  }
0x7d: {  	[timem:s3], [sflag:s2] =	dma.local @!p0 [hbm:s0], s1  }
0x7e: {  	s0 =	simm.s32 @!p0 $0x3  }
0x7f: {  	_ =	swait.ge @!p0 [sflag:s0], s1  }
0x80: {  	s1 =	ssub.s32 @!p0 $0x0, s1;
	[sflag:s0] =	ssyncset.done @!p0 $0x0  }
0x81: {  	[sflag:s0] =	ssyncadd.s32 @!p0 s1  }
0x82: {  	[bflag:$0x3] =	sbarrier.arrive $0xFFFF  }
0x83: {  	_ =	shalt  }

// kernel: kernel.8.cloned.1.call-start
scs
__scs_entry_jumppad:
0x0: {  	(pc) =	sbr.rel $0x88, $3  }
0x1: {  	(tag) =	ssettag $0x0;
	lr =	simm.s32 $0x1  }
0x2: {  	[smem:$0x3F99] =	sst lr;
	_ =	strace $0xD0000000  }
0x3: {  	_ = 	snop  }
0x4: {  	_ = 	snop  }
0x5: {  	_ = 	snop  }
0x6: {  	_ = 	snop  }
0x7: {  	_ = 	snop  }
__scs_overlays_trampoline_lowered:
0x8: {  	[smem:$0x3FA8] =	sst s0  }
0x9: {  	[smem:$0x3FA9] =	sst s1  }
0xa: {  	[smem:$0x3FAA] =	sst s2  }
0xb: {  	[smem:$0x3FAB] =	sst s3  }
0xc: {  	[smem:$0x3FAC] =	sst s4  }
0xd: {  	[smem:$0x3FAD] =	sst s5  }
0xe: {  	[smem:$0x3FAE] =	sst s6  }
0xf: {  	[smem:$0x3FAF] =	sst s7  }
0x10: {  	[smem:$0x3FB0] =	sst s8  }
0x11: {  	[smem:$0x3FB1] =	sst s9;
	s0 =	simm.s32 @!p0 $0x0  }
0x12: {  	s1 =	sld [smem:$0x3F97];
	s0 =	simm.s32 @p0 $0x1  }
0x13: {  	[smem:$0x3FB2] =	sst s0;
	s0 =	simm.s32 @!p1 $0x0  }
0x14: {  	s2 =	sld [smem:$0x3F96];
	s0 =	simm.s32 @p1 $0x1  }
0x15: {  	[smem:$0x3FB3] =	sst s0;
	s0 =	simm.s32 @!p2 $0x0  }
0x16: {  	s3 =	sld [smem:$0x3FDB];
	s0 =	simm.s32 @p2 $0x1  }
0x17: {  	s4 =	simm.s32 $0x1BF5;
	[smem:$0x3FB5] =	sst s0  }
0x18: {  	s0 =	sld [smem:$0x3F98];
	_ =	swait.ge [sflag:s4], $0x0  }
0x19: {  	s7 =	sld [smem:$0x3F99]  }
0x1a: {  	s8 =	sadd.s32 $0xFFFFE003, lr  }
0x1b: {  	s9 =	sadd.s32 $0xFFFFFEF7, lr;
	s5 =	simm.s32 $0xFFFFFFFF;
	p2 =	slt.u32 s8, $0xFFFFF086  }
0x1c: {  	p1 =	slt.u32 s9, $0xF7A;
	s5 =	simm.s32 @!p2 $0x0  }
0x1d: {  	s5 =	simm.s32 @p1 $0x1;
	p0 =	seq.s32 s7, s2  }
0x1e: {  	s7 =	smul.u32 @!p0 $0xF7A, s2;
	p2 =	seq.s32 @!p0 s5, $0x0  }
0x1f: {  	s9 =	smul.u32 $0xF7A, s1;
	s8 =	simm.s32 @!p0 $0x1BF5;
	p2 =	por !p2, p0  }
0x20: {  	[sflag:s8] =	ssyncset.s32 @!p0 $0xFFFFF086;
	s6 =	sadd.s32 @!p0 s3, s7;
	s7 =	simm.s32 @!p0 $0x108  }
0x21: {  	s3 =	sadd.s32 s3, s9;
	s6 =	sadd.s32 @!p0 $0x88, s6;
	s7 =	simm.s32 @p2 $0x1082  }
0x22: {  	[simem:s7], [sflag:s8] =	dma.local @!p0 [hbm:s6], $0xF7A  }
0x23: {  	s9 =	sor.u32 $0xD0000000, s2;
	s6 =	simm.s32 $0x108;
	_ =	swait.ge @!p0 [sflag:s8], $0x0  }
0x24: {  	s3 =	sadd.s32 $0x88, s3;
	s6 =	simm.s32 @!p1 $0x1082;
	[sflag:s4] =	ssyncset.s32 $0xFFFFF086  }
0x25: {  	[simem:s6], [sflag:s4] =	dma.local [hbm:s3], $0xF7A  }
0x26: {  	[smem:$0x3F99] =	sst s1;
	(tag) =	ssettag s2;
	_ =	strace s9  }
0x27: {  	s1 =	sld [smem:$0x3FA9]  }
0x28: {  	s2 =	sld [smem:$0x3FAA]  }
0x29: {  	s4 =	sld [smem:$0x3FAC]  }
0x2a: {  	p0 =	seq.s32 s5, $0x0;
	s5 =	sld [smem:$0x3FAD]  }
0x2b: {  	s6 =	sld [smem:$0x3FAE]  }
0x2c: {  	s7 =	sld [smem:$0x3FAF]  }
0x2d: {  	s3 =	simm.s32 $0x108;
	s8 =	sld [smem:$0x3FB0]  }
0x2e: {  	s3 =	simm.s32 @!p0 $0x1082;
	s9 =	sld [smem:$0x3FB1]  }
0x2f: {  	lr =	sadd.s32 s0, s3;
	s0 =	sld [smem:$0x3FA8]  }
0x30: {  	s3 =	sld [smem:$0x3FAB]  }
0x31: {  	[smem:$0x3FB4] =	sst s10  }
0x32: {  	s10 =	sld [smem:$0x3FB2];
	_ =	sdelay $0x3  }
0x33: {  	p0 =	seq.s32 s10, $0x1;
	s10 =	sld [smem:$0x3FB4];
	_ =	sdelay $0x3  }
0x34: {  	[smem:$0x3FB4] =	sst s10  }
0x35: {  	s10 =	sld [smem:$0x3FB3];
	_ =	sdelay $0x3  }
0x36: {  	p1 =	seq.s32 s10, $0x1;
	s10 =	sld [smem:$0x3FB4];
	_ =	sdelay $0x3  }
0x37: {  	[smem:$0x3FB4] =	sst s10  }
0x38: {  	s10 =	sld [smem:$0x3FB5]  }
0x39: {  	_ = 	snop;
	(pc) =	sbr.ind lr, $3  }
0x3a: {  	_ = 	snop  }
0x3b: {  	_ = 	snop  }
0x3c: {  	p2 =	seq.s32 s10, $0x1;
	s10 =	sld [smem:$0x3FB4]  }
0x3d: {  	_ =	shalt  }
0x3e: {  	_ =	shalt  }
0x3f: {  	_ =	shalt  }
0x40: {  	_ =	shalt  }
0x41: {  	_ =	shalt  }
0x42: {  	_ =	shalt  }
0x43: {  	_ =	shalt  }
0x44: {  	_ =	shalt  }
0x45: {  	_ =	shalt  }
0x46: {  	_ =	shalt  }
0x47: {  	_ =	shalt  }
0x48: {  	_ =	shalt  }
0x49: {  	_ =	shalt  }
0x4a: {  	_ =	shalt  }
0x4b: {  	_ =	shalt  }
0x4c: {  	_ =	shalt  }
0x4d: {  	_ =	shalt  }
0x4e: {  	_ =	shalt  }
0x4f: {  	_ =	shalt  }
0x50: {  	_ =	shalt  }
0x51: {  	_ =	shalt  }
0x52: {  	_ =	shalt  }
0x53: {  	_ =	shalt  }
0x54: {  	_ =	shalt  }
0x55: {  	_ =	shalt  }
0x56: {  	_ =	shalt  }
0x57: {  	_ =	shalt  }
0x58: {  	_ =	shalt  }
0x59: {  	_ =	shalt  }
0x5a: {  	_ =	shalt  }
0x5b: {  	_ =	shalt  }
0x5c: {  	_ =	shalt  }
0x5d: {  	_ =	shalt  }
0x5e: {  	_ =	shalt  }
0x5f: {  	_ =	shalt  }
0x60: {  	_ =	shalt  }
0x61: {  	_ =	shalt  }
0x62: {  	_ =	shalt  }
0x63: {  	_ =	shalt  }
0x64: {  	_ =	shalt  }
0x65: {  	_ =	shalt  }
0x66: {  	_ =	shalt  }
0x67: {  	_ =	shalt  }
0x68: {  	_ =	shalt  }
0x69: {  	_ =	shalt  }
0x6a: {  	_ =	shalt  }
0x6b: {  	_ =	shalt  }
0x6c: {  	_ =	shalt  }
0x6d: {  	_ =	shalt  }
0x6e: {  	_ =	shalt  }
0x6f: {  	_ =	shalt  }
0x70: {  	_ =	shalt  }
0x71: {  	_ =	shalt  }
0x72: {  	_ =	shalt  }
0x73: {  	_ =	shalt  }
0x74: {  	_ =	shalt  }
0x75: {  	_ =	shalt  }
0x76: {  	_ =	shalt  }
0x77: {  	_ =	shalt  }
0x78: {  	_ =	shalt  }
0x79: {  	_ =	shalt  }
0x7a: {  	_ =	shalt  }
0x7b: {  	_ =	shalt  }
0x7c: {  	_ =	shalt  }
0x7d: {  	_ =	shalt  }
0x7e: {  	_ =	shalt  }
0x7f: {  	_ =	shalt  }
0x80: {  	_ =	shalt  }
0x81: {  	_ =	shalt  }
0x82: {  	_ =	shalt  }
0x83: {  	_ =	shalt  }
0x84: {  	_ =	shalt  }
0x85: {  	_ =	shalt  }
0x86: {  	_ =	shalt  }
0x87: {  	_ =	shalt  }
.Lfunc_end0:
.L_simem_size_0:
called_computation_lowered:
.L_overlay_start_0:
0x88: {  	s2 =	sld [smem:$0x3FD9]  }
0x89: {  	s3 =	sld [smem:$0x3FFE];
	_ =	sdelay $0x1  }
0x8a: {  	s1 =	srdreg.scid  }
0x8b: {  	s0 =	sand.u32 $0x1, s1  }
0x8c: {  	s17 =	sshll.u32 s0, $0xA;
	s2 =	sadd.s32 s3, s2  }
0x8d: {  	s2 =	sadd.s32 s2, s17  }
0x8e: {  	[smem:$0x3FC0] =	sst s2  }
0x8f: {  	_ = 	snop  }
0x90: {  	s2 =	sld [smem:$0x3FD0];
	(tm) =	ssettm $0x1  }
0x91: {  	s18 =	sld [smem:$0x3FFB];
	_ =	sdelay $0x3  }
0x92: {  	_ =	strace s18  }
0x93: {  	s3 =	sld [smem:$0x3FFC];
	_ =	sdelay $0x3  }
0x94: {  	_ =	strace s3  }
0x95: {  	s3 =	sld [smem:$0x3FFD];
	_ =	sdelay $0x3  }
0x96: {  	_ =	strace s3  }
0x97: {  	_ =	strace $0x8FFFFFFF  }
0x98: {  	s19 =	sld [smem:$0x3FDB];
	_ =	sdelay $0x1  }
0x99: {  	s4 =	simm.s32 $_scs_section_size  }
0x9a: {  	s5 =	simm.s32 $_size__tile_overlayer_lowered;
	s6 =	simm.s32 $_tile_overlayer_lowered  }
0x9b: {  	s22 =	simm.s32 $0x1BFF;
	s21 =	sshll.u32 s6, $0x1;
	s3 =	sadd.s32 s4, s19  }
0x9c: {  	s7 =	simm.s32 $0x0;
	s20 =	sshll.u32 s5, $0x1;
	s5 =	sadd.s32 s21, s3  }
0x9d: {  	[timem:s7], [sflag:s22] =	dma.local [hbm:s5], s20  }
0x9e: {  	_ =	swait.ge [sflag:s22], s20  }
0x9f: {  	s4 =	ssub.s32 $0x0, s20;
	[sflag:s22] =	ssyncset.done $0x0  }
0xa0: {  	[sflag:s22] =	ssyncadd.s32 s4;
	_ =	sdelay $0x1  }
0xa1: {  	s23 =	simm.s32 $0x1B8B  }
0xa2: {  	_ =	swait.ge [sflag:s23], $0x1  }
0xa3: {  	[sflag:s23] =	ssyncset.done $0x0  }
0xa4: {  	s25 =	simm.s32 $0x1B8E;
	s24 =	sld [smem:$0x3FFE];
	[sflag:s23] =	ssyncadd.s32 $0xFFFFFFFF  }
0xa5: {  	s26 =	simm.s32 $execute0_lowered;
	[smem:$0x3FD2] =	sst s25  }
0xa6: {  	s5 =	sshll.u32 s26, $0x1;
	_ =	strace $0x80000046;
	[dreg:$0x1] =	wrdreg $0xFFFFFFFF  }
0xa7: {  	s28 =	simm.s32 $_size_execute0_lowered;
	s3 =	sadd.s32 s3, s5;
	[dreg:$0x0] =	wrdreg $0x0  }
0xa8: {  	s5 =	sshll.u32 s28, $0x1;
	[dreg:$0x2] =	wrdreg s3  }
0xa9: {  	[dreg:$0x3] =	wrdreg s5  }
0xaa: {  	[dreg:$0x4] =	wrdreg $0xC0  }
0xab: {  	_ =	task [dreg:s7], $0x5FFFF  }
0xac: {  	[dreg:$0x1] =	wrdreg $0xFFFFFFFF  }
0xad: {  	[dreg:$0x0] =	wrdreg $0x60  }
0xae: {  	[dreg:$0x2] =	wrdreg s24  }
0xaf: {  	[dreg:$0x3] =	wrdreg s2  }
0xb0: {  	[dreg:$0x4] =	wrdreg $0xE6000  }
0xb1: {  	[dreg:$0x5] =	wrdreg $0x186000  }
0xb2: {  	[dreg:$0x6] =	wrdreg $0x9  }
0xb3: {  	_ =	task.clear_ibuf [dreg:s7], $0x7FFFF;
	_ =	strace $0x90000046  }
0xb4: {  	s29 =	simm.s32 $0x9;
	_ =	strace $0x80000048  }
0xb5: {  	_ =	swait.ge [sflag:s29], $0x1  }
0xb6: {  	[sflag:s29] =	ssyncadd.s32 $0xFFFFFFFF  }
0xb7: {  	_ =	strace $0x90000048  }
0xb8: {  	_ =	sfence  }
0xb9: {  	s30 =	sld [smem:$0x0];
	_ =	sdelay $0x2  }
0xba: {  	s31 =	sshll.u32 s1, $0xD;
	s1 =	sshrl.u32 s1, $0x2  }
0xbb: {  	s3 =	sand.u32 $0x4000, s31;
	s1 =	sadd.s32 s1, s30  }
0xbc: {  	s0 =	sor.u32 s3, s0;
	s1 =	sshll.u32 s1, $0x11  }
0xbd: {  	s0 =	sor.u32 s1, s0  }
0xbe: {  	s0 =	sadd.s32 $0x8F2B, s0  }
0xbf: {  	[sflag:s0] =	ssyncadd.remote.s32 $0x1  }
0xc0: {  	_ =	sfence.sel $0xFFFF  }
0xc1: {  	[dreg:$0x0] =	wrdreg $0xFFFFFFFF;
	(pc) =	sbr.abs _section_cstart, $3  }
0xc2: {  	[dreg:$0x1] =	wrdreg $0xFFFFFFFF  }
0xc3: {  	_ =	task.clear_ibuf [dreg:s7], $0x2FFFF;
	_ =	strace $0x9FFFFFFF  }
0xc4: {  	(tm) =	ssettm $0x7FFFFFFF  }
0xc5: {  	_ =	shalt  }
tec
execute0_lowered:
.L_overlay_start_1:
0x0: {  	(tag) =	ssettag $0x1  }
0x1: {  	s0 =	rddreg [dreg:$0x0]  }
0x2: {  	s1 =	rddreg [dreg:$0x1]  }
0x3: {  	s2 =	rddreg [dreg:$0x2]  }
0x4: {  	s3 =	rddreg [dreg:$0x3];
	s4 =	stileid.u32;
	s6 =	simm.s32 $0x0  }
0x5: {  	s5 =	srdreg.scid;
	s28 =	simm.s32 $0xBE00;
	s7 =	smul.u32 $0x9E0, s4  }
0x6: {  	s29 =	simm.s32 $0x1;
	s30 =	simm.s32 $0x2;
	s8 =	smul.u32 $0xA000, s4  }
0x7: {  	[smem:$0x7FF] =	sst s6;
	s19 =	sand.u32 $0x1, s5;
	s14 =	smul.u32 $0x280, s4  }
0x8: {  	s5 =	sadd.s32 $0x15800, s0;
	s6 =	sadd.s32 $0x1E00, s0;
	s20 =	smul.u32 $0x2800, s4  }
0x9: {  	_ =	strace $0x80000047;
	s9 =	smul.u32 $0xA0000, s19;
	s16 =	ssub.s32 $0x2, s19  }
0xa: {  	p0 =	seq.s32 s19, $0x1;
	s18 =	sadd.s32 s7, s0;
	s10 =	sshrl.u32 s16, $0x1  }
0xb: {  	s17 =	sadd.s32 $0x80, s14;
	s12 =	sadd.s32 $0x100, s14;
	s15 =	sadd.s32 s8, s9  }
0xc: {  	s21 =	ssub.s32 s16, s10;
	s22 =	sshll.u32 s17, $0x6;
	s10 =	sshll.u32 s17, $0x4  }
0xd: {  	s11 =	sshll.u32 s12, $0x6;
	s12 =	sshll.u32 s12, $0x4;
	s16 =	sadd.s32 $0x200, s14  }
0xe: {  	s17 =	sadd.s32 $0x33000, s18;
	s18 =	sadd.s32 $0x29200, s18;
	s7 =	sshrl.u32 s15, $0x3  }
0xf: {  	s23 =	sadd.s32 s22, s2;
	s24 =	sadd.s32 s10, s3;
	s15 =	sadd.s32 $0x180, s14  }
0x10: {  	s25 =	sadd.s32 s11, s2;
	s12 =	sadd.s32 s12, s3;
	s31 =	sshll.u32 s16, $0x6  }
0x11: {  	s22 =	smul.u32 $0x28000, s19;
	s16 =	sshll.u32 s16, $0x4;
	s21 =	smax.u32 s21, $0x1  }
0x12: {  	s10 =	simm.s32 $0x9D00;
	s11 =	simm.s32 $0x9D80;
	[dreg:$0x5] =	wrdreg s23  }
0x13: {  	s0 =	sadd.s32 s7, s0;
	s7 =	sadd.s32 s8, s2;
	[dreg:$0x6] =	wrdreg s24  }
0x14: {  	s8 =	sadd.s32 s20, s3;
	[dreg:$0x7] =	wrdreg s25;
	s13 =	sshll.u32 s15, $0x6  }
.Ltmp0:
0x15: {  	s26 =	sshll.u32 s15, $0x4;
	s15 =	sadd.s32 s31, s2;
	(pc) =	sbr.rel .LBB2_1-.Ltmp0, $4  }
0x16: {  	s16 =	sadd.s32 s16, s3;
	s23 =	simm.s32 $0x3;
	s24 =	simm.s32 $0xDE00  }
0x17: {  	s13 =	sadd.s32 s13, s2;
	s14 =	sadd.s32 s26, s3;
	s20 =	sadd.s32 s20, s22  }
0x18: {  	s19 =	sadd.s32 $0x3CE00, s0;
	s22 =	simm.s32 $0x9E00;
	s20 =	sshrl.u32 s20, $0x3  }
0x19: {  	v0 =	vimm.f32 $0.0e+00;
	v1 =	vimm.f32 $1.000000000e+00;
	s26 =	simm.s32 $0x80;
	s20 =	sadd.s32 s1, s20;
	s1 =	simm.s32 $0x0  }
.LBB2_10:
0x1a: {  	s0 =	sadd.s32 $0x80, s31;
	[sflag:s23] =	ssyncadd.s32 $0xFFFFE000  }
0x1b: {  	[tilespmem:s28], [sflag:$0x2] =	stream.indirect.gather [hbm4b:s5+s26], $0x40, s0, s26, $0xb8;
	[tilespmem:$0x1AE00] =	vst v63  }
0x1c: {  	_ =	swait.ge [sflag:s29], $0x2000  }
0x1d: {  	[sflag:s29] =	ssyncset.done $0x0  }
0x1e: {  	s4 =	sadd.s32 $0x4F00, s31;
	[sflag:s29] =	ssyncadd.s32 $0xFFFFE000  }
0x1f: {  	[spmem:s2] =	stream.indirect.scatter.add.f32 [tilespmem:s22], [sflag:$0x3], $0x40, s4, s26, $0xb8;
	[tilespmem:$0x1AE00] =	vst v63  }
0x20: {  	_ =	swait.ge [sflag:s23], $0x2000  }
0x21: {  	[sflag:s23] =	ssyncset.done $0x0  }
0x22: {  	[sflag:s23] =	ssyncadd.s32 $0xFFFFE000  }
0x23: {  	[spmem:s3] =	stream.indirect.scatter.add.f32 [tilespmem:s24], [sflag:$0x3], $0x10, s4, s26, $0xb8;
	[tilespmem:$0x1AE00] =	vst v63  }
0x24: {  	_ =	swait.ge [sflag:s23], $0x800  }
0x25: {  	[sflag:s23] =	ssyncset.done $0x0  }
0x26: {  	s9 =	sadd.s32 $0x100, s31;
	[sflag:s23] =	ssyncadd.s32 $0xFFFFF800  }
0x27: {  	[tilespmem:s22], [sflag:$0x1] =	stream.indirect.gather [hbm4b:s5+s26], $0x40, s9, s26, $0xb8;
	[tilespmem:$0x1AE00] =	vst v63  }
0x28: {  	_ =	swait.ge [sflag:s30], $0x2000  }
0x29: {  	[sflag:s30] =	ssyncset.done $0x0  }
0x2a: {  	s10 =	sadd.s32 $0x4F80, s31;
	[sflag:s30] =	ssyncadd.s32 $0xFFFFE000  }
0x2b: {  	[spmem:s2] =	stream.indirect.scatter.add.f32 [tilespmem:s28], [sflag:$0x3], $0x40, s10, s26, $0xb8;
	[tilespmem:$0x1AE00] =	vst v63  }
0x2c: {  	_ =	swait.ge [sflag:s23], $0x2000  }
0x2d: {  	[sflag:s23] =	ssyncset.done $0x0  }
0x2e: {  	s25 =	simm.s32 $0x4E80;
	[sflag:s23] =	ssyncadd.s32 $0xFFFFE000  }
0x2f: {  	[tilespmem:s28], [sflag:$0x2] =	stream.indirect.gather [hbm4b:s5+s26], $0x40, s25, s26, $0xb8;
	[tilespmem:$0x1AE00] =	vst v63  }
0x30: {  	_ =	swait.ge [sflag:s29], $0x2000  }
0x31: {  	[sflag:s29] =	ssyncset.done $0x0  }
0x32: {  	s31 =	simm.s32 $0x9D00;
	[sflag:s29] =	ssyncadd.s32 $0xFFFFE000  }
0x33: {  	[spmem:s2] =	stream.indirect.scatter.add.f32 [tilespmem:s22], [sflag:$0x3], $0x40, s31, s26, $0xb8;
	[tilespmem:$0x1AE00] =	vst v63  }
0x34: {  	_ =	swait.ge [sflag:s23], $0x2000  }
0x35: {  	[sflag:s23] =	ssyncset.done $0x0  }
0x36: {  	[sflag:s23] =	ssyncadd.s32 $0xFFFFE000  }
0x37: {  	[spmem:s3] =	stream.indirect.scatter.add.f32 [tilespmem:s24], [sflag:$0x3], $0x10, s31, s26, $0xb8;
	[tilespmem:$0x1AE00] =	vst v63  }
0x38: {  	_ =	swait.ge [sflag:s23], $0x800  }
0x39: {  	[sflag:s23] =	ssyncset.done $0x0  }
0x3a: {  	[sflag:s23] =	ssyncadd.s32 $0xFFFFF800  }
0x3b: {  	_ =	swait.ge [sflag:s30], $0x2000  }
0x3c: {  	[sflag:s30] =	ssyncset.done $0x0  }
0x3d: {  	[sflag:s30] =	ssyncadd.s32 $0xFFFFE000  }
0x3e: {  	[spmem:s2] =	stream.indirect.scatter.add.f32 [tilespmem:s28], [sflag:$0x3], $0x40, s11, s26, $0xb8;
	[tilespmem:$0x1AE00] =	vst v63  }
0x3f: {  	_ =	swait.ge [sflag:s23], $0x2000  }
0x40: {  	[sflag:s23] =	ssyncset.done $0x0  }
0x41: {  	s10 =	simm.s32 $0x9D00;
	[sflag:s23] =	ssyncadd.s32 $0xFFFFE000  }
.LBB2_14:
0x42: {  	s0 =	stileid.u32  }
0x43: {  	s0 =	sshll.u32 s0, $0x6  }
0x44: {  	[bflag:$0x0] =	sbarrier.arrive $0xFFFF;
	s4 =	sshrl.u32 s7, $0x3;
	s0 =	sor.u32 $0x1C03, s0  }
0x45: {  	[hbm:s19], [sflag:s0] =	dma.local [spmem:s4], $0x1400  }
0x46: {  	s1 =	sadd.s32 $0x1, s1;
	_ =	swait.ge [sflag:s23], $0x1400  }
0x47: {  	p1 =	sne.s32 s1, s21;
	[sflag:s23] =	ssyncset.done $0x0  }
.Ltmp1:
0x48: {  	s31 =	sshrl.u32 s8, $0x3;
	[sflag:s23] =	ssyncadd.s32 $0xFFFFEC00;
	(pc) =	sbr.rel @!p1 .LBB2_15-.Ltmp1, $4  }
0x49: {  	[hbm:s20], [sflag:s0] =	dma.local [spmem:s31], $0x500  }
0x4a: {  	_ =	swait.ge [sflag:s23], $0x500  }
0x4b: {  	[sflag:s23] =	ssyncset.done $0x0  }
0x4c: {  	[sflag:s23] =	ssyncadd.s32 $0xFFFFFB00  }
.LBB2_1:
0x4d: {  	s0 =	simm.s32 $0x0  }
.LBB2_2:
0x4e: {  	p1 =	sne.s32 s0, $0x7F00  }
.Ltmp2:
0x4f: {  	s31 =	sshra.s32 s0, $0x2;
	(pc) =	sbr.rel @p1 .LBB2_2-.Ltmp2, $4  }
0x50: {  	[tilespmem:s31+$0x9E00] =	vst v0  }
0x51: {  	[tilespmem:s31+$0x9E10] =	vst v0  }
0x52: {  	[tilespmem:s31+$0x9E20] =	vst v0  }
0x53: {  	s0 =	sadd.s32 $0x100, s0;
	[tilespmem:s31+$0x9E30] =	vst v0  }
0x54: {  	s31 =	simm.s32 $0x40;
	s0 =	simm.s32 $0x0  }
.LBB2_4:
0x55: {  	p1 =	sne.s32 s31, $0x1FC0;
	[tilespmem:s0+$0xDE00] =	vst v0;
	s0 =	smov.u32 s31;
	s31 =	sadd.s32 $0x40, s31  }
.Ltmp3:
0x56: {  	(pc) =	sbr.rel @p1 .LBB2_4-.Ltmp3, $2  }
0x57: {  	_ =	sdelay $0x2  }
0x58: {  	s0 =	sshra.s32 s0, $0x2  }
0x59: {  	[tilespmem:s0+$0xDE00] =	vst v0  }
0x5a: {  	[spmem:s7] =	stream.linear.scatter [tilespmem:s22], [sflag:$0x3], $0x2000, $0x38;
	[tilespmem:$0x1AE00] =	vst v63  }
0x5b: {  	_ =	swait.ge [sflag:s23], $0x2000  }
0x5c: {  	[sflag:s23] =	ssyncset.done $0x0  }
0x5d: {  	[sflag:s23] =	ssyncadd.s32 $0xFFFFE000  }
0x5e: {  	[spmem:s8] =	stream.linear.scatter [tilespmem:s24], [sflag:$0x3], $0x800, $0x38;
	[tilespmem:$0x1AE00] =	vst v63  }
0x5f: {  	_ =	swait.ge [sflag:s23], $0x800  }
0x60: {  	[sflag:s23] =	ssyncset.done $0x0  }
0x61: {  	s4 =	rddreg [dreg:$0x5];
	[sflag:s23] =	ssyncadd.s32 $0xFFFFF800  }
0x62: {  	[spmem:s4] =	stream.linear.scatter [tilespmem:s22], [sflag:$0x3], $0x2000, $0x38;
	[tilespmem:$0x1AE00] =	vst v63  }
0x63: {  	_ =	swait.ge [sflag:s23], $0x2000  }
0x64: {  	[sflag:s23] =	ssyncset.done $0x0  }
0x65: {  	s9 =	rddreg [dreg:$0x6];
	[sflag:s23] =	ssyncadd.s32 $0xFFFFE000  }
0x66: {  	[spmem:s9] =	stream.linear.scatter [tilespmem:s24], [sflag:$0x3], $0x800, $0x38;
	[tilespmem:$0x1AE00] =	vst v63  }
0x67: {  	_ =	swait.ge [sflag:s23], $0x800  }
0x68: {  	[sflag:s23] =	ssyncset.done $0x0  }
0x69: {  	s25 =	rddreg [dreg:$0x7];
	[sflag:s23] =	ssyncadd.s32 $0xFFFFF800  }
0x6a: {  	[spmem:s25] =	stream.linear.scatter [tilespmem:s22], [sflag:$0x3], $0x2000, $0x38;
	[tilespmem:$0x1AE00] =	vst v63  }
0x6b: {  	_ =	swait.ge [sflag:s23], $0x2000  }
0x6c: {  	[sflag:s23] =	ssyncset.done $0x0  }
0x6d: {  	[sflag:s23] =	ssyncadd.s32 $0xFFFFE000  }
0x6e: {  	[spmem:s12] =	stream.linear.scatter [tilespmem:s24], [sflag:$0x3], $0x800, $0x38;
	[tilespmem:$0x1AE00] =	vst v63  }
0x6f: {  	_ =	swait.ge [sflag:s23], $0x800  }
0x70: {  	[sflag:s23] =	ssyncset.done $0x0  }
0x71: {  	[sflag:s23] =	ssyncadd.s32 $0xFFFFF800  }
0x72: {  	[spmem:s13] =	stream.linear.scatter [tilespmem:s22], [sflag:$0x3], $0x2000, $0x38;
	[tilespmem:$0x1AE00] =	vst v63  }
0x73: {  	_ =	swait.ge [sflag:s23], $0x2000  }
0x74: {  	[sflag:s23] =	ssyncset.done $0x0  }
0x75: {  	[sflag:s23] =	ssyncadd.s32 $0xFFFFE000  }
0x76: {  	[spmem:s14] =	stream.linear.scatter [tilespmem:s24], [sflag:$0x3], $0x800, $0x38;
	[tilespmem:$0x1AE00] =	vst v63  }
0x77: {  	_ =	swait.ge [sflag:s23], $0x800  }
0x78: {  	[sflag:s23] =	ssyncset.done $0x0  }
0x79: {  	[sflag:s23] =	ssyncadd.s32 $0xFFFFF800  }
0x7a: {  	[spmem:s15] =	stream.linear.scatter [tilespmem:s22], [sflag:$0x3], $0x2000, $0x38;
	[tilespmem:$0x1AE00] =	vst v63  }
0x7b: {  	_ =	swait.ge [sflag:s23], $0x2000  }
0x7c: {  	[sflag:s23] =	ssyncset.done $0x0  }
0x7d: {  	[sflag:s23] =	ssyncadd.s32 $0xFFFFE000  }
0x7e: {  	[spmem:s16] =	stream.linear.scatter [tilespmem:s24], [sflag:$0x3], $0x800, $0x38;
	[tilespmem:$0x1AE00] =	vst v63  }
0x7f: {  	_ =	swait.ge [sflag:s23], $0x800  }
0x80: {  	[sflag:s23] =	ssyncset.done $0x0  }
0x81: {  	s31 =	simm.s32 $0x40;
	s0 =	simm.s32 $0x0;
	[sflag:s23] =	ssyncadd.s32 $0xFFFFF800  }
.LBB2_6:
0x82: {  	p1 =	sne.s32 s31, $0x1FC0;
	[tilespmem:s0+$0xDE00] =	vst v1;
	s0 =	smov.u32 s31;
	s31 =	sadd.s32 $0x40, s31  }
.Ltmp4:
0x83: {  	(pc) =	sbr.rel @p1 .LBB2_6-.Ltmp4, $2  }
0x84: {  	_ =	sdelay $0x2  }
0x85: {  	s0 =	sshra.s32 s0, $0x2  }
0x86: {  	[tilespmem:s0+$0xDE00] =	vst v1;
	s31 =	simm.s32 $0x0  }
0x87: {  	[tilespmem:s31], [sflag:$0x3] =	stream.linear.gather [hbm4b:s17+s31], $0x4F00, $0x38;
	[tilespmem:$0x1AE00] =	vst v63  }
0x88: {  	_ =	swait.ge [sflag:s23], $0x4F00  }
0x89: {  	[sflag:s23] =	ssyncset.done $0x0  }
0x8a: {  	s4 =	simm.s32 $0x4F00;
	[sflag:s23] =	ssyncadd.s32 $0xFFFFB100  }
0x8b: {  	[tilespmem:s4], [sflag:$0x3] =	stream.linear.gather [hbm4b:s18+s31], $0x4F00, $0x38;
	[tilespmem:$0x1AE00] =	vst v63  }
.Ltmp5:
0x8c: {  	_ =	swait.ge [sflag:s23], $0x4F00;
	(pc) =	sbr.rel @!p0 .LBB2_8-.Ltmp5, $4  }
0x8d: {  	[sflag:s23] =	ssyncset.done $0x0  }
0x8e: {  	[sflag:s23] =	ssyncadd.s32 $0xFFFFB100  }
0x8f: {  	[bflag:$0x0] =	sbarrier.arrive $0xFFFF  }
0x90: {  	s0 =	simm.s32 $0x0  }
0x91: {  	[tilespmem:s22], [sflag:$0x1] =	stream.indirect.gather [hbm4b:s6+s26], $0x40, s0, s26, $0xb8;
	[tilespmem:$0x1AE00] =	vst v63  }
0x92: {  	s4 =	simm.s32 $0x80  }
0x93: {  	[tilespmem:s28], [sflag:$0x2] =	stream.indirect.gather [hbm4b:s6+s26], $0x40, s4, s26, $0xb8;
	[tilespmem:$0x1AE00] =	vst v63  }
0x94: {  	_ =	swait.ge [sflag:s29], $0x2000  }
0x95: {  	[sflag:s29] =	ssyncset.done $0x0  }
0x96: {  	s9 =	simm.s32 $0x4F00;
	[sflag:s29] =	ssyncadd.s32 $0xFFFFE000  }
0x97: {  	[spmem:s2] =	stream.indirect.scatter.add.f32 [tilespmem:s22], [sflag:$0x3], $0x40, s9, s26, $0xb8;
	[tilespmem:$0x1AE00] =	vst v63  }
0x98: {  	_ =	swait.ge [sflag:s23], $0x2000  }
0x99: {  	[sflag:s23] =	ssyncset.done $0x0  }
0x9a: {  	s11 =	simm.s32 $0x100;
	[sflag:s23] =	ssyncadd.s32 $0xFFFFE000  }
0x9b: {  	[tilespmem:s22], [sflag:$0x1] =	stream.indirect.gather [hbm4b:s6+s26], $0x40, s11, s26, $0xb8;
	[tilespmem:$0x1AE00] =	vst v63  }
0x9c: {  	_ =	swait.ge [sflag:s30], $0x2000  }
0x9d: {  	[sflag:s30] =	ssyncset.done $0x0  }
0x9e: {  	s25 =	simm.s32 $0x4F80;
	[sflag:s30] =	ssyncadd.s32 $0xFFFFE000  }
0x9f: {  	[spmem:s2] =	stream.indirect.scatter.add.f32 [tilespmem:s28], [sflag:$0x3], $0x40, s25, s26, $0xb8;
	[tilespmem:$0x1AE00] =	vst v63  }
0xa0: {  	_ =	swait.ge [sflag:s23], $0x2000  }
0xa1: {  	[sflag:s23] =	ssyncset.done $0x0  }
0xa2: {  	[sflag:s23] =	ssyncadd.s32 $0xFFFFE000  }
0xa3: {  	[spmem:s3] =	stream.indirect.scatter.add.f32 [tilespmem:s24], [sflag:$0x3], $0x10, s25, s26, $0xb8;
	[tilespmem:$0x1AE00] =	vst v63  }
0xa4: {  	_ =	swait.ge [sflag:s23], $0x800  }
0xa5: {  	s0 =	simm.s32 $0x800;
	s31 =	simm.s32 $0x100;
	[sflag:s23] =	ssyncset.done $0x0  }
.LBB2_12:
0xa6: {  	s4 =	sadd.s32 $0x80, s31  }
0xa7: {  	[sflag:s23] =	ssyncadd.s32 $0xFFFFF800;
	s9 =	smov.u32 s0;
	s25 =	sadd.s32 $0x400, s0  }
0xa8: {  	[tilespmem:s28], [sflag:$0x2] =	stream.indirect.gather [hbm4b:s6+s26], $0x40, s4, s26, $0xb8;
	[tilespmem:$0x1AE00] =	vst v63  }
0xa9: {  	p1 =	sne.s32 s0, $0x13400;
	_ =	swait.ge [sflag:s29], $0x2000  }
0xaa: {  	[sflag:s29] =	ssyncset.done $0x0  }
0xab: {  	s0 =	sadd.s32 $0x4F00, s31;
	[sflag:s29] =	ssyncadd.s32 $0xFFFFE000  }
0xac: {  	[spmem:s2] =	stream.indirect.scatter.add.f32 [tilespmem:s22], [sflag:$0x3], $0x40, s0, s26, $0xb8;
	[tilespmem:$0x1AE00] =	vst v63  }
0xad: {  	_ =	swait.ge [sflag:s23], $0x2000  }
0xae: {  	[sflag:s23] =	ssyncset.done $0x0  }
0xaf: {  	s0 =	sadd.s32 $0x100, s31;
	[sflag:s23] =	ssyncadd.s32 $0xFFFFE000  }
0xb0: {  	[tilespmem:s22], [sflag:$0x1] =	stream.indirect.gather [hbm4b:s6+s26], $0x40, s0, s26, $0xb8;
	[tilespmem:$0x1AE00] =	vst v63  }
0xb1: {  	_ =	swait.ge [sflag:s30], $0x2000  }
0xb2: {  	[sflag:s30] =	ssyncset.done $0x0  }
0xb3: {  	s0 =	sadd.s32 $0x4F80, s31;
	[sflag:s30] =	ssyncadd.s32 $0xFFFFE000  }
0xb4: {  	[spmem:s2] =	stream.indirect.scatter.add.f32 [tilespmem:s28], [sflag:$0x3], $0x40, s0, s26, $0xb8;
	[tilespmem:$0x1AE00] =	vst v63  }
0xb5: {  	_ =	swait.ge [sflag:s23], $0x2000  }
.Ltmp6:
0xb6: {  	[sflag:s23] =	ssyncset.done $0x0;
	(pc) =	sbr.rel @p1 .LBB2_12-.Ltmp6, $4  }
0xb7: {  	[sflag:s23] =	ssyncadd.s32 $0xFFFFE000  }
0xb8: {  	[spmem:s3] =	stream.indirect.scatter.add.f32 [tilespmem:s24], [sflag:$0x3], $0x10, s0, s26, $0xb8;
	[tilespmem:$0x1AE00] =	vst v63  }
0xb9: {  	_ =	swait.ge [sflag:s23], $0x800  }
0xba: {  	s31 =	sshra.s32 s9, $0x2;
	s0 =	smov.u32 s25;
	[sflag:s23] =	ssyncset.done $0x0  }
0xbb: {  	s0 =	sadd.s32 $0x80, s31;
	[sflag:s23] =	ssyncadd.s32 $0xFFFFF800  }
0xbc: {  	[tilespmem:s28], [sflag:$0x2] =	stream.indirect.gather [hbm4b:s6+s26], $0x40, s0, s26, $0xb8;
	[tilespmem:$0x1AE00] =	vst v63  }
0xbd: {  	_ =	swait.ge [sflag:s29], $0x2000  }
0xbe: {  	[sflag:s29] =	ssyncset.done $0x0  }
0xbf: {  	s4 =	sadd.s32 $0x4F00, s31;
	[sflag:s29] =	ssyncadd.s32 $0xFFFFE000  }
0xc0: {  	[spmem:s2] =	stream.indirect.scatter.add.f32 [tilespmem:s22], [sflag:$0x3], $0x40, s4, s26, $0xb8;
	[tilespmem:$0x1AE00] =	vst v63  }
0xc1: {  	_ =	swait.ge [sflag:s23], $0x2000  }
0xc2: {  	[sflag:s23] =	ssyncset.done $0x0  }
0xc3: {  	s9 =	sadd.s32 $0x100, s31;
	[sflag:s23] =	ssyncadd.s32 $0xFFFFE000  }
0xc4: {  	[tilespmem:s22], [sflag:$0x1] =	stream.indirect.gather [hbm4b:s6+s26], $0x40, s9, s26, $0xb8;
	[tilespmem:$0x1AE00] =	vst v63  }
0xc5: {  	_ =	swait.ge [sflag:s30], $0x2000  }
0xc6: {  	[sflag:s30] =	ssyncset.done $0x0  }
0xc7: {  	s11 =	sadd.s32 $0x4F80, s31;
	[sflag:s30] =	ssyncadd.s32 $0xFFFFE000  }
0xc8: {  	[spmem:s2] =	stream.indirect.scatter.add.f32 [tilespmem:s28], [sflag:$0x3], $0x40, s11, s26, $0xb8;
	[tilespmem:$0x1AE00] =	vst v63  }
0xc9: {  	_ =	swait.ge [sflag:s23], $0x2000  }
0xca: {  	[sflag:s23] =	ssyncset.done $0x0  }
0xcb: {  	[sflag:s23] =	ssyncadd.s32 $0xFFFFE000  }
0xcc: {  	[spmem:s3] =	stream.indirect.scatter.add.f32 [tilespmem:s24], [sflag:$0x3], $0x10, s11, s26, $0xb8;
	[tilespmem:$0x1AE00] =	vst v63  }
0xcd: {  	_ =	swait.ge [sflag:s23], $0x800  }
0xce: {  	[sflag:s23] =	ssyncset.done $0x0  }
0xcf: {  	s25 =	simm.s32 $0x4E80;
	[sflag:s23] =	ssyncadd.s32 $0xFFFFF800  }
0xd0: {  	[tilespmem:s28], [sflag:$0x2] =	stream.indirect.gather [hbm4b:s6+s26], $0x40, s25, s26, $0xb8;
	[tilespmem:$0x1AE00] =	vst v63  }
0xd1: {  	_ =	swait.ge [sflag:s29], $0x2000  }
0xd2: {  	[sflag:s29] =	ssyncset.done $0x0  }
0xd3: {  	[sflag:s29] =	ssyncadd.s32 $0xFFFFE000  }
0xd4: {  	[spmem:s2] =	stream.indirect.scatter.add.f32 [tilespmem:s22], [sflag:$0x3], $0x40, s10, s26, $0xb8;
	[tilespmem:$0x1AE00] =	vst v63  }
0xd5: {  	_ =	swait.ge [sflag:s23], $0x2000  }
0xd6: {  	[sflag:s23] =	ssyncset.done $0x0  }
0xd7: {  	[sflag:s23] =	ssyncadd.s32 $0xFFFFE000  }
0xd8: {  	_ =	swait.ge [sflag:s30], $0x2000  }
0xd9: {  	[sflag:s30] =	ssyncset.done $0x0  }
0xda: {  	s31 =	simm.s32 $0x9D80;
	[sflag:s30] =	ssyncadd.s32 $0xFFFFE000  }
0xdb: {  	[spmem:s2] =	stream.indirect.scatter.add.f32 [tilespmem:s28], [sflag:$0x3], $0x40, s31, s26, $0xb8;
	[tilespmem:$0x1AE00] =	vst v63  }
0xdc: {  	_ =	swait.ge [sflag:s23], $0x2000  }
0xdd: {  	[sflag:s23] =	ssyncset.done $0x0  }
.Ltmp7:
0xde: {  	[sflag:s23] =	ssyncadd.s32 $0xFFFFE000;
	(pc) =	sbr.rel .LBB2_14-.Ltmp7, $4  }
0xdf: {  	[spmem:s3] =	stream.indirect.scatter.add.f32 [tilespmem:s24], [sflag:$0x3], $0x10, s31, s26, $0xb8;
	[tilespmem:$0x1AE00] =	vst v63  }
0xe0: {  	_ =	swait.ge [sflag:s23], $0x800  }
0xe1: {  	[sflag:s23] =	ssyncset.done $0x0  }
0xe2: {  	s11 =	simm.s32 $0x9D80;
	[sflag:s23] =	ssyncadd.s32 $0xFFFFF800  }
.LBB2_8:
0xe3: {  	[tilespmem:s22], [sflag:$0x1] =	stream.indirect.gather [hbm4b:s5+s26], $0x40, s0, s26, $0xb8;
	[tilespmem:$0x1AE00] =	vst v63  }
0xe4: {  	s4 =	simm.s32 $0x80  }
0xe5: {  	[tilespmem:s28], [sflag:$0x2] =	stream.indirect.gather [hbm4b:s5+s26], $0x40, s4, s26, $0xb8;
	[tilespmem:$0x1AE00] =	vst v63  }
0xe6: {  	_ =	swait.ge [sflag:s29], $0x2000  }
0xe7: {  	[sflag:s29] =	ssyncset.done $0x0  }
0xe8: {  	s9 =	simm.s32 $0x4F00;
	[sflag:s29] =	ssyncadd.s32 $0xFFFFE000  }
0xe9: {  	[spmem:s2] =	stream.indirect.scatter.add.f32 [tilespmem:s22], [sflag:$0x3], $0x40, s9, s26, $0xb8;
	[tilespmem:$0x1AE00] =	vst v63  }
0xea: {  	_ =	swait.ge [sflag:s23], $0x2000  }
0xeb: {  	[sflag:s23] =	ssyncset.done $0x0  }
0xec: {  	[sflag:s23] =	ssyncadd.s32 $0xFFFFE000  }
0xed: {  	[spmem:s3] =	stream.indirect.scatter.add.f32 [tilespmem:s24], [sflag:$0x3], $0x10, s9, s26, $0xb8;
	[tilespmem:$0x1AE00] =	vst v63  }
0xee: {  	_ =	swait.ge [sflag:s23], $0x800  }
0xef: {  	[sflag:s23] =	ssyncset.done $0x0  }
0xf0: {  	s10 =	simm.s32 $0x100;
	[sflag:s23] =	ssyncadd.s32 $0xFFFFF800  }
0xf1: {  	[tilespmem:s22], [sflag:$0x1] =	stream.indirect.gather [hbm4b:s5+s26], $0x40, s10, s26, $0xb8;
	[tilespmem:$0x1AE00] =	vst v63  }
0xf2: {  	_ =	swait.ge [sflag:s30], $0x2000  }
0xf3: {  	[sflag:s30] =	ssyncset.done $0x0  }
0xf4: {  	s25 =	simm.s32 $0x4F80;
	[sflag:s30] =	ssyncadd.s32 $0xFFFFE000  }
0xf5: {  	[spmem:s2] =	stream.indirect.scatter.add.f32 [tilespmem:s28], [sflag:$0x3], $0x40, s25, s26, $0xb8;
	[tilespmem:$0x1AE00] =	vst v63  }
0xf6: {  	_ =	swait.ge [sflag:s23], $0x2000  }
0xf7: {  	s0 =	simm.s32 $0x800;
	s31 =	simm.s32 $0x100;
	[sflag:s23] =	ssyncset.done $0x0  }
.LBB2_9:
0xf8: {  	s25 =	sadd.s32 $0x80, s31  }
0xf9: {  	[sflag:s23] =	ssyncadd.s32 $0xFFFFE000;
	s4 =	smov.u32 s0;
	s9 =	sadd.s32 $0x400, s0  }
0xfa: {  	[tilespmem:s28], [sflag:$0x2] =	stream.indirect.gather [hbm4b:s5+s26], $0x40, s25, s26, $0xb8;
	[tilespmem:$0x1AE00] =	vst v63  }
0xfb: {  	p1 =	sne.s32 s0, $0x13400;
	_ =	swait.ge [sflag:s29], $0x2000  }
0xfc: {  	[sflag:s29] =	ssyncset.done $0x0  }
0xfd: {  	s0 =	sadd.s32 $0x4F00, s31;
	[sflag:s29] =	ssyncadd.s32 $0xFFFFE000  }
0xfe: {  	[spmem:s2] =	stream.indirect.scatter.add.f32 [tilespmem:s22], [sflag:$0x3], $0x40, s0, s26, $0xb8;
	[tilespmem:$0x1AE00] =	vst v63  }
0xff: {  	_ =	swait.ge [sflag:s23], $0x2000  }
0x100: {  	[sflag:s23] =	ssyncset.done $0x0  }
0x101: {  	[sflag:s23] =	ssyncadd.s32 $0xFFFFE000  }
0x102: {  	[spmem:s3] =	stream.indirect.scatter.add.f32 [tilespmem:s24], [sflag:$0x3], $0x10, s0, s26, $0xb8;
	[tilespmem:$0x1AE00] =	vst v63  }
0x103: {  	_ =	swait.ge [sflag:s23], $0x800  }
0x104: {  	[sflag:s23] =	ssyncset.done $0x0  }
0x105: {  	s0 =	sadd.s32 $0x100, s31;
	[sflag:s23] =	ssyncadd.s32 $0xFFFFF800  }
0x106: {  	[tilespmem:s22], [sflag:$0x1] =	stream.indirect.gather [hbm4b:s5+s26], $0x40, s0, s26, $0xb8;
	[tilespmem:$0x1AE00] =	vst v63  }
0x107: {  	_ =	swait.ge [sflag:s30], $0x2000  }
.Ltmp8:
0x108: {  	[sflag:s30] =	ssyncset.done $0x0;
	(pc) =	sbr.rel @p1 .LBB2_9-.Ltmp8, $4  }
0x109: {  	s0 =	sadd.s32 $0x4F80, s31;
	[sflag:s30] =	ssyncadd.s32 $0xFFFFE000  }
0x10a: {  	[spmem:s2] =	stream.indirect.scatter.add.f32 [tilespmem:s28], [sflag:$0x3], $0x40, s0, s26, $0xb8;
	[tilespmem:$0x1AE00] =	vst v63  }
0x10b: {  	_ =	swait.ge [sflag:s23], $0x2000  }
0x10c: {  	s31 =	sshra.s32 s4, $0x2;
	s0 =	smov.u32 s9;
	[sflag:s23] =	ssyncset.done $0x0  }
.Ltmp9:
0x10d: {  	_ = 	snop;
	(pc) =	sbr.rel .LBB2_10-.Ltmp9, $1  }
0x10e: {  	_ =	sdelay $0x3  }
.LBB2_15:
0x10f: {  	_ =	sfence.sel $0x180000  }
0x110: {  	[bflag:$0x0] =	sbarrier.arrive $0xFFFF  }
0x111: {  	_ =	strace $0x90000047  }
0x112: {  	s0 =	stileid.u32;
	[bflag:$0x2] =	sbarrier.arrive $0xFFFF  }
0x113: {  	p0 =	sne.s32 s0, $0x0;
	s0 =	rddreg [dreg:$0x4]  }
0x114: {  	s0 =	sadd.s32 @!p0 $0x100000, s0  }
0x115: {  	[sflag:s0] =	ssyncadd.tile.s32 @!p0 $0x1;
	_ =	shalt  }
.Lfunc_end2:
_tile_overlayer_lowered:
.L_overlay_start_2:
0x116: {  	(tag) =	ssettag $0x2  }
0x117: {  	s0 =	rddreg [dreg:$0x0];
	s2 =	stileid.u32  }
0x118: {  	s1 =	rddreg [dreg:$0x1];
	p0 =	sne.s32 s2, $0x0  }
0x119: {  	s3 =	rddreg [dreg:$0x2];
	[bflag:$0x3] =	sbarrier.arrive $0xFFFF;
	s2 =	simm.s32 @!p0 $0x1C03  }
0x11a: {  	[timem:s3], [sflag:s2] =	dma.local @!p0 [hbm:s0], s1  }
0x11b: {  	s0 =	simm.s32 @!p0 $0x3  }
0x11c: {  	_ =	swait.ge @!p0 [sflag:s0], s1  }
0x11d: {  	s1 =	ssub.s32 @!p0 $0x0, s1;
	[sflag:s0] =	ssyncset.done @!p0 $0x0  }
0x11e: {  	[sflag:s0] =	ssyncadd.s32 @!p0 s1  }
0x11f: {  	[bflag:$0x3] =	sbarrier.arrive $0xFFFF  }
0x120: {  	_ =	shalt  }

</sc_bundles>
